<compile_context>
chip_gen: v7x
topology: tpu7x:2x2x1
jax: 0.10.2.dev20260603
libtpu: 0.0.44.dev20260713+nightly
codegen_flags: <defaults>
</compile_context>

<pallas_src>
import functools

import jax
import jax.numpy as jnp
from jax import lax
from jax.experimental import pallas as pl
from jax.experimental.pallas import tpu as pltpu
from jax.experimental.pallas import tpu_sc as plsc

_NUM_CORES = 2
_NUM_SUBCORES = 16
_NUM_WORKERS = _NUM_CORES * _NUM_SUBCORES
_LANES = 16
_CHUNK = 16


def kernel(x, table):
    (batch,) = x.shape
    n_rows, embed_dim = table.shape
    table_t = table.T
    b_per_w = batch // _NUM_WORKERS
    mesh = plsc.VectorSubcoreMesh(core_axis_name="c", subcore_axis_name="s")

    @functools.partial(
        pl.kernel,
        mesh=mesh,
        out_type=jax.ShapeDtypeStruct((embed_dim, batch), table.dtype),
        scratch_types=[
            pltpu.VMEM((b_per_w,), jnp.int32),
            pltpu.VMEM((_CHUNK, embed_dim, 128), jnp.float32),
            pltpu.VMEM((embed_dim, b_per_w), jnp.float32),
            pltpu.SemaphoreType.DMA,
            pltpu.SemaphoreType.DMA,
        ],
        compiler_params=pltpu.CompilerParams(needs_layout_passes=False),
    )
    def emb(x_hbm, table_hbm, out_hbm, idx_v, stage_v, outb_v, sem_in, sem_out):
        wid = lax.axis_index("s") * _NUM_CORES + lax.axis_index("c")
        base = wid * b_per_w
        pltpu.sync_copy(x_hbm.at[pl.ds(base, b_per_w)], idx_v)

        def chunk_body(ci, _):
            cbase = ci * _CHUNK

            ivec = idx_v[pl.ds(cbase, _CHUNK)]
            for k in range(_CHUNK):
                col = pl.multiple_of((ivec[k] // 128) * 128, 128)
                pltpu.async_copy(
                    table_hbm.at[:, pl.ds(col, 128)], stage_v.at[k], sem_in
                )

            def drain(k, _):
                pltpu.make_async_copy(
                    table_hbm.at[:, pl.ds(0, 128)], stage_v.at[k], sem_in
                ).wait()
                return ()

            lax.fori_loop(0, _CHUNK, drain, (), unroll=8)

            def extract(g, _):
                idx16 = idx_v[pl.ds(cbase + g * _LANES, _LANES)]
                lane = lax.rem(idx16, 128)
                kvec = lax.iota(jnp.int32, _LANES) + g * _LANES

                def comp(c, _):
                    cvec = jnp.full((_LANES,), c, dtype=jnp.int32)
                    v = plsc.load_gather(stage_v, [kvec, cvec, lane])
                    outb_v[c, pl.ds(cbase + g * _LANES, _LANES)] = v
                    return ()

                lax.fori_loop(0, embed_dim, comp, (), unroll=8)
                return ()

            lax.fori_loop(0, _CHUNK // _LANES, extract, (), unroll=1)
            return ()

        lax.fori_loop(0, b_per_w // _CHUNK, chunk_body, (), unroll=1)
        pltpu.sync_copy(outb_v, out_hbm.at[:, pl.ds(base, b_per_w)])

    out_t = emb(x.astype(jnp.int32), table_t)
    return out_t.T

# --- scband reference (transcript-rebuilt; emitter-appended) ---
"""Pipeline reference for scband-color-embedding-5360119186062 (READ-ONLY COPY).

The authoritative reference and input builder live on the scoring server;
editing this copy changes nothing except your own understanding.
"""

import jax, jax.numpy as jnp
import numpy as np

N_COLORS = 1000000
EMBED_DIM = 32
BATCH = 16384

def setup_inputs(seed: int = 0) -> dict:
    key = jax.random.key(seed)
    k1, k2 = jax.random.split(key)
    x = jax.random.randint(k1, (BATCH,), 0, N_COLORS, dtype=jnp.int64 if jax.config.jax_enable_x64 else jnp.int32)
    # nn.Embedding default init: N(0, 1)
    table = jax.random.normal(k2, (N_COLORS, EMBED_DIM), dtype=jnp.float32)
    return {"x": x, "table": table}

def reference(x, table):
    # Faithful translation of nn.Embedding lookup: gather rows by index.
    return jnp.take(table, x, axis=0)

if __name__ == "__main__":
    import jax
    _d = setup_inputs()
    print(jax.jit(kernel)(*tuple(_d.values())))

</pallas_src>

<mosaic_0001>
#map = affine_map<(d0, d1) -> (0)>
#map1 = affine_map<(d0, d1) -> (0, 0)>
module attributes {stable_mosaic.version = 14 : i64} {
  func.func @emb(%arg0: i32, %arg1: i32, %arg2: memref<16384xi32, #tpu.memory_space<hbm>>, %arg3: memref<32x1000000xf32, #tpu.memory_space<hbm>>, %arg4: memref<32x16384xf32, #tpu.memory_space<hbm>>, %arg5: memref<512xi32, #tpu.memory_space<vmem>>, %arg6: memref<16x32x128xf32, #tpu.memory_space<vmem>>, %arg7: memref<32x512xf32, #tpu.memory_space<vmem>>, %arg8: memref<!tpu.dma_semaphore, #tpu.memory_space<semaphore_mem>>, %arg9: memref<!tpu.dma_semaphore, #tpu.memory_space<semaphore_mem>>) attributes {dimension_semantics = [#tpu.dimension_semantics<core_parallel>, #tpu.dimension_semantics<subcore_parallel>], iteration_bounds = array<i64: 2, 16>, scalar_prefetch = 0 : i64, scratch_operands = 5 : i64, tpu.core_type = #tpu.core_type<sc_vector_subcore>, window_params = [{transform_indices = #map}, {transform_indices = #map1}, {transform_indices = #map1}]} {
    %mul3A = arith.constant 2 : i32
    %mul3A_0 = arith.muli %arg1, %mul3A : i32
    %add3A = arith.addi %mul3A_0, %arg0 : i32
    %mul3A_1 = arith.constant 512 : i32
    %mul3A_2 = arith.muli %add3A, %mul3A_1 : i32
    "tpu.region"() ({
      %run_scoped3A = tpu.sem_alloc : memref<!tpu.dma_semaphore, #tpu.memory_space<semaphore_mem>>
      %dma_start3A = tpu.memref_slice %arg2[%mul3A_2] : memref<16384xi32, #tpu.memory_space<hbm>> -> memref<512xi32, #tpu.memory_space<hbm>>
      %dma_start3A_7 = tpu.memref_slice %arg2[%mul3A_2] : memref<16384xi32, #tpu.memory_space<hbm>> -> memref<512xi32, #tpu.memory_space<hbm>>
      tpu.enqueue_dma source(%dma_start3A_7 : memref<512xi32, #tpu.memory_space<hbm>>) target(%arg5 : memref<512xi32, #tpu.memory_space<vmem>>) target_semaphore(%run_scoped3A : memref<!tpu.dma_semaphore, #tpu.memory_space<semaphore_mem>>)
      %dma_wait3A = tpu.memref_slice %arg2[%mul3A_2] : memref<16384xi32, #tpu.memory_space<hbm>> -> memref<512xi32, #tpu.memory_space<hbm>>
      %dma_wait3A_8 = tpu.memref_slice %arg2[%mul3A_2] : memref<16384xi32, #tpu.memory_space<hbm>> -> memref<512xi32, #tpu.memory_space<hbm>>
      tpu.wait_dma2 semaphore(%run_scoped3A : memref<!tpu.dma_semaphore, #tpu.memory_space<semaphore_mem>>) src(%dma_wait3A_8 : memref<512xi32, #tpu.memory_space<hbm>>) dst(%arg5 : memref<512xi32, #tpu.memory_space<vmem>>)
      tpu.yield
    }) : () -> ()
    %scan3A = arith.constant 0 : i32
    %scan3A_3 = arith.constant 32 : i32
    %scan3A_4 = arith.addi %scan3A, %scan3A_3 : i32
    %scan3A_5 = arith.constant 1 : i32
    scf.for %scan3A_7 = %scan3A to %scan3A_4 step %scan3A_5  : i32 {
      %mul3A_8 = arith.constant 16 : i32
      %mul3A_9 = arith.muli %scan3A_7, %mul3A_8 : i32
      %get3A = arith.index_cast %mul3A_9 : i32 to index
      %get3A_10 = tpu.vector_load %arg5[%get3A] {strides = array<i32>} : memref<512xi32, #tpu.memory_space<vmem>>, vector<16xi32>,
      %slice3A = vector.extract_strided_slice %get3A_10 {offsets = [0], sizes = [1], strides = [1]} : vector<16xi32> to vector<1xi32>
      %squeeze3A = vector.extract %slice3A[0] : i32 from vector<1xi32>
      %jit3A = arith.constant 128 : i32
      %div3A = arith.divsi %squeeze3A, %jit3A : i32
      %sign3A = arith.constant 0 : i32
      %sign3A_11 = arith.cmpi sgt, %squeeze3A, %sign3A : i32
      %sign3A_12 = arith.extui %sign3A_11 : i1 to i32
      %sign3A_13 = arith.constant 0 : i32
      %sign3A_14 = arith.cmpi slt, %squeeze3A, %sign3A_13 : i32
      %sign3A_15 = arith.extui %sign3A_14 : i1 to i32
      %sign3A_16 = arith.subi %sign3A_12, %sign3A_15 : i32
      %sign3A_17 = arith.constant 0 : i32
      %sign3A_18 = arith.cmpi sgt, %jit3A, %sign3A_17 : i32
      %sign3A_19 = arith.extui %sign3A_18 : i1 to i32
      %sign3A_20 = arith.constant 0 : i32
      %sign3A_21 = arith.cmpi slt, %jit3A, %sign3A_20 : i32
      %sign3A_22 = arith.extui %sign3A_21 : i1 to i32
      %sign3A_23 = arith.subi %sign3A_19, %sign3A_22 : i32
      %ne3A = arith.cmpi ne, %sign3A_16, %sign3A_23 : i32
      %rem3A = arith.remsi %squeeze3A, %jit3A : i32
      %ne3A_24 = arith.constant 0 : i32
      %ne3A_25 = arith.cmpi ne, %rem3A, %ne3A_24 : i32
      %and3A = arith.andi %ne3A, %ne3A_25 : i1
      %sub3A = arith.constant 1 : i32
      %sub3A_26 = arith.subi %div3A, %sub3A : i32
      %select_n3A = arith.select %and3A, %sub3A_26, %div3A : i32
      %mul3A_27 = arith.constant 128 : i32
      %mul3A_28 = arith.muli %select_n3A, %mul3A_27 : i32
      %multiple_of3A = tpu.assume_multiple %mul3A_28, 128 : i32
      %dma_start3A = arith.constant 0 : i32
      %dma_start3A_29 = arith.constant 0 : i32
      %dma_start3A_30 = arith.constant 0 : i32
      %dma_start3A_31 = tpu.memref_slice %arg6[%dma_start3A, %dma_start3A_29, %dma_start3A_30] : memref<16x32x128xf32, #tpu.memory_space<vmem>> -> memref<1x32x128xf32, #tpu.memory_space<vmem>>
      %dma_start3A_32 = tpu.memref_squeeze %dma_start3A_31 : memref<1x32x128xf32, #tpu.memory_space<vmem>> -> memref<32x128xf32, #tpu.memory_space<vmem>>
      %dma_start3A_33 = arith.constant 0 : i32
      %dma_start3A_34 = tpu.memref_slice %arg3[%dma_start3A_33, %multiple_of3A] : memref<32x1000000xf32, #tpu.memory_space<hbm>> -> memref<32x128xf32, #tpu.memory_space<hbm>>
      %dma_start3A_35 = arith.constant 0 : i32
      %dma_start3A_36 = arith.constant 0 : i32
      %dma_start3A_37 = tpu.memref_slice %arg6[%dma_start3A, %dma_start3A_35, %dma_start3A_36] : memref<16x32x128xf32, #tpu.memory_space<vmem>> -> memref<1x32x128xf32, #tpu.memory_space<vmem>>
      %dma_start3A_38 = tpu.memref_squeeze %dma_start3A_37 : memref<1x32x128xf32, #tpu.memory_space<vmem>> -> memref<32x128xf32, #tpu.memory_space<vmem>>
      %dma_start3A_39 = arith.constant 0 : i32
      %dma_start3A_40 = tpu.memref_slice %arg3[%dma_start3A_39, %multiple_of3A] : memref<32x1000000xf32, #tpu.memory_space<hbm>> -> memref<32x128xf32, #tpu.memory_space<hbm>>
      tpu.enqueue_dma source(%dma_start3A_40 : memref<32x128xf32, #tpu.memory_space<hbm>>) target(%dma_start3A_38 : memref<32x128xf32, #tpu.memory_space<vmem>>) target_semaphore(%arg8 : memref<!tpu.dma_semaphore, #tpu.memory_space<semaphore_mem>>)
      %slice3A_41 = vector.extract_strided_slice %get3A_10 {offsets = [1], sizes = [1], strides = [1]} : vector<16xi32> to vector<1xi32>
      %squeeze3A_42 = vector.extract %slice3A_41[0] : i32 from vector<1xi32>
      %jit3A_43 = arith.constant 128 : i32
      %div3A_44 = arith.divsi %squeeze3A_42, %jit3A_43 : i32
      %sign3A_45 = arith.constant 0 : i32
      %sign3A_46 = arith.cmpi sgt, %squeeze3A_42, %sign3A_45 : i32
      %sign3A_47 = arith.extui %sign3A_46 : i1 to i32
      %sign3A_48 = arith.constant 0 : i32
      %sign3A_49 = arith.cmpi slt, %squeeze3A_42, %sign3A_48 : i32
      %sign3A_50 = arith.extui %sign3A_49 : i1 to i32
      %sign3A_51 = arith.subi %sign3A_47, %sign3A_50 : i32
      %sign3A_52 = arith.constant 0 : i32
      %sign3A_53 = arith.cmpi sgt, %jit3A_43, %sign3A_52 : i32
      %sign3A_54 = arith.extui %sign3A_53 : i1 to i32
      %sign3A_55 = arith.constant 0 : i32
      %sign3A_56 = arith.cmpi slt, %jit3A_43, %sign3A_55 : i32
      %sign3A_57 = arith.extui %sign3A_56 : i1 to i32
      %sign3A_58 = arith.subi %sign3A_54, %sign3A_57 : i32
      %ne3A_59 = arith.cmpi ne, %sign3A_51, %sign3A_58 : i32
      %rem3A_60 = arith.remsi %squeeze3A_42, %jit3A_43 : i32
      %ne3A_61 = arith.constant 0 : i32
      %ne3A_62 = arith.cmpi ne, %rem3A_60, %ne3A_61 : i32
      %and3A_63 = arith.andi %ne3A_59, %ne3A_62 : i1
      %sub3A_64 = arith.constant 1 : i32
      %sub3A_65 = arith.subi %div3A_44, %sub3A_64 : i32
      %select_n3A_66 = arith.select %and3A_63, %sub3A_65, %div3A_44 : i32
      %mul3A_67 = arith.constant 128 : i32
      %mul3A_68 = arith.muli %select_n3A_66, %mul3A_67 : i32
      %multiple_of3A_69 = tpu.assume_multiple %mul3A_68, 128 : i32
      %dma_start3A_70 = arith.constant 1 : i32
      %dma_start3A_71 = arith.constant 0 : i32
      %dma_start3A_72 = arith.constant 0 : i32
      %dma_start3A_73 = tpu.memref_slice %arg6[%dma_start3A_70, %dma_start3A_71, %dma_start3A_72] : memref<16x32x128xf32, #tpu.memory_space<vmem>> -> memref<1x32x128xf32, #tpu.memory_space<vmem>>
      %dma_start3A_74 = tpu.memref_squeeze %dma_start3A_73 : memref<1x32x128xf32, #tpu.memory_space<vmem>> -> memref<32x128xf32, #tpu.memory_space<vmem>>
      %dma_start3A_75 = arith.constant 0 : i32
      %dma_start3A_76 = tpu.memref_slice %arg3[%dma_start3A_75, %multiple_of3A_69] : memref<32x1000000xf32, #tpu.memory_space<hbm>> -> memref<32x128xf32, #tpu.memory_space<hbm>>
      %dma_start3A_77 = arith.constant 0 : i32
      %dma_start3A_78 = arith.constant 0 : i32
      %dma_start3A_79 = tpu.memref_slice %arg6[%dma_start3A_70, %dma_start3A_77, %dma_start3A_78] : memref<16x32x128xf32, #tpu.memory_space<vmem>> -> memref<1x32x128xf32, #tpu.memory_space<vmem>>
      %dma_start3A_80 = tpu.memref_squeeze %dma_start3A_79 : memref<1x32x128xf32, #tpu.memory_space<vmem>> -> memref<32x128xf32, #tpu.memory_space<vmem>>
      %dma_start3A_81 = arith.constant 0 : i32
      %dma_start3A_82 = tpu.memref_slice %arg3[%dma_start3A_81, %multiple_of3A_69] : memref<32x1000000xf32, #tpu.memory_space<hbm>> -> memref<32x128xf32, #tpu.memory_space<hbm>>
      tpu.enqueue_dma source(%dma_start3A_82 : memref<32x128xf32, #tpu.memory_space<hbm>>) target(%dma_start3A_80 : memref<32x128xf32, #tpu.memory_space<vmem>>) target_semaphore(%arg8 : memref<!tpu.dma_semaphore, #tpu.memory_space<semaphore_mem>>)
      %slice3A_83 = vector.extract_strided_slice %get3A_10 {offsets = [2], sizes = [1], strides = [1]} : vector<16xi32> to vector<1xi32>
      %squeeze3A_84 = vector.extract %slice3A_83[0] : i32 from vector<1xi32>
      %jit3A_85 = arith.constant 128 : i32
      %div3A_86 = arith.divsi %squeeze3A_84, %jit3A_85 : i32
      %sign3A_87 = arith.constant 0 : i32
      %sign3A_88 = arith.cmpi sgt, %squeeze3A_84, %sign3A_87 : i32
      %sign3A_89 = arith.extui %sign3A_88 : i1 to i32
      %sign3A_90 = arith.constant 0 : i32
      %sign3A_91 = arith.cmpi slt, %squeeze3A_84, %sign3A_90 : i32
      %sign3A_92 = arith.extui %sign3A_91 : i1 to i32
      %sign3A_93 = arith.subi %sign3A_89, %sign3A_92 : i32
      %sign3A_94 = arith.constant 0 : i32
      %sign3A_95 = arith.cmpi sgt, %jit3A_85, %sign3A_94 : i32
      %sign3A_96 = arith.extui %sign3A_95 : i1 to i32
      %sign3A_97 = arith.constant 0 : i32
      %sign3A_98 = arith.cmpi slt, %jit3A_85, %sign3A_97 : i32
      %sign3A_99 = arith.extui %sign3A_98 : i1 to i32
      %sign3A_100 = arith.subi %sign3A_96, %sign3A_99 : i32
      %ne3A_101 = arith.cmpi ne, %sign3A_93, %sign3A_100 : i32
      %rem3A_102 = arith.remsi %squeeze3A_84, %jit3A_85 : i32
      %ne3A_103 = arith.constant 0 : i32
      %ne3A_104 = arith.cmpi ne, %rem3A_102, %ne3A_103 : i32
      %and3A_105 = arith.andi %ne3A_101, %ne3A_104 : i1
      %sub3A_106 = arith.constant 1 : i32
      %sub3A_107 = arith.subi %div3A_86, %sub3A_106 : i32
      %select_n3A_108 = arith.select %and3A_105, %sub3A_107, %div3A_86 : i32
      %mul3A_109 = arith.constant 128 : i32
      %mul3A_110 = arith.muli %select_n3A_108, %mul3A_109 : i32
      %multiple_of3A_111 = tpu.assume_multiple %mul3A_110, 128 : i32
      %dma_start3A_112 = arith.constant 2 : i32
      %dma_start3A_113 = arith.constant 0 : i32
      %dma_start3A_114 = arith.constant 0 : i32
      %dma_start3A_115 = tpu.memref_slice %arg6[%dma_start3A_112, %dma_start3A_113, %dma_start3A_114] : memref<16x32x128xf32, #tpu.memory_space<vmem>> -> memref<1x32x128xf32, #tpu.memory_space<vmem>>
      %dma_start3A_116 = tpu.memref_squeeze %dma_start3A_115 : memref<1x32x128xf32, #tpu.memory_space<vmem>> -> memref<32x128xf32, #tpu.memory_space<vmem>>
      %dma_start3A_117 = arith.constant 0 : i32
      %dma_start3A_118 = tpu.memref_slice %arg3[%dma_start3A_117, %multiple_of3A_111] : memref<32x1000000xf32, #tpu.memory_space<hbm>> -> memref<32x128xf32, #tpu.memory_space<hbm>>
      %dma_start3A_119 = arith.constant 0 : i32
      %dma_start3A_120 = arith.constant 0 : i32
      %dma_start3A_121 = tpu.memref_slice %arg6[%dma_start3A_112, %dma_start3A_119, %dma_start3A_120] : memref<16x32x128xf32, #tpu.memory_space<vmem>> -> memref<1x32x128xf32, #tpu.memory_space<vmem>>
      %dma_start3A_122 = tpu.memref_squeeze %dma_start3A_121 : memref<1x32x128xf32, #tpu.memory_space<vmem>> -> memref<32x128xf32, #tpu.memory_space<vmem>>
      %dma_start3A_123 = arith.constant 0 : i32
      %dma_start3A_124 = tpu.memref_slice %arg3[%dma_start3A_123, %multiple_of3A_111] : memref<32x1000000xf32, #tpu.memory_space<hbm>> -> memref<32x128xf32, #tpu.memory_space<hbm>>
      tpu.enqueue_dma source(%dma_start3A_124 : memref<32x128xf32, #tpu.memory_space<hbm>>) target(%dma_start3A_122 : memref<32x128xf32, #tpu.memory_space<vmem>>) target_semaphore(%arg8 : memref<!tpu.dma_semaphore, #tpu.memory_space<semaphore_mem>>)
      %slice3A_125 = vector.extract_strided_slice %get3A_10 {offsets = [3], sizes = [1], strides = [1]} : vector<16xi32> to vector<1xi32>
      %squeeze3A_126 = vector.extract %slice3A_125[0] : i32 from vector<1xi32>
      %jit3A_127 = arith.constant 128 : i32
      %div3A_128 = arith.divsi %squeeze3A_126, %jit3A_127 : i32
      %sign3A_129 = arith.constant 0 : i32
      %sign3A_130 = arith.cmpi sgt, %squeeze3A_126, %sign3A_129 : i32
      %sign3A_131 = arith.extui %sign3A_130 : i1 to i32
      %sign3A_132 = arith.constant 0 : i32
      %sign3A_133 = arith.cmpi slt, %squeeze3A_126, %sign3A_132 : i32
      %sign3A_134 = arith.extui %sign3A_133 : i1 to i32
      %sign3A_135 = arith.subi %sign3A_131, %sign3A_134 : i32
      %sign3A_136 = arith.constant 0 : i32
      %sign3A_137 = arith.cmpi sgt, %jit3A_127, %sign3A_136 : i32
      %sign3A_138 = arith.extui %sign3A_137 : i1 to i32
      %sign3A_139 = arith.constant 0 : i32
      %sign3A_140 = arith.cmpi slt, %jit3A_127, %sign3A_139 : i32
      %sign3A_141 = arith.extui %sign3A_140 : i1 to i32
      %sign3A_142 = arith.subi %sign3A_138, %sign3A_141 : i32
      %ne3A_143 = arith.cmpi ne, %sign3A_135, %sign3A_142 : i32
      %rem3A_144 = arith.remsi %squeeze3A_126, %jit3A_127 : i32
      %ne3A_145 = arith.constant 0 : i32
      %ne3A_146 = arith.cmpi ne, %rem3A_144, %ne3A_145 : i32
      %and3A_147 = arith.andi %ne3A_143, %ne3A_146 : i1
      %sub3A_148 = arith.constant 1 : i32
      %sub3A_149 = arith.subi %div3A_128, %sub3A_148 : i32
      %select_n3A_150 = arith.select %and3A_147, %sub3A_149, %div3A_128 : i32
      %mul3A_151 = arith.constant 128 : i32
      %mul3A_152 = arith.muli %select_n3A_150, %mul3A_151 : i32
      %multiple_of3A_153 = tpu.assume_multiple %mul3A_152, 128 : i32
      %dma_start3A_154 = arith.constant 3 : i32
      %dma_start3A_155 = arith.constant 0 : i32
      %dma_start3A_156 = arith.constant 0 : i32
      %dma_start3A_157 = tpu.memref_slice %arg6[%dma_start3A_154, %dma_start3A_155, %dma_start3A_156] : memref<16x32x128xf32, #tpu.memory_space<vmem>> -> memref<1x32x128xf32, #tpu.memory_space<vmem>>
      %dma_start3A_158 = tpu.memref_squeeze %dma_start3A_157 : memref<1x32x128xf32, #tpu.memory_space<vmem>> -> memref<32x128xf32, #tpu.memory_space<vmem>>
      %dma_start3A_159 = arith.constant 0 : i32
      %dma_start3A_160 = tpu.memref_slice %arg3[%dma_start3A_159, %multiple_of3A_153] : memref<32x1000000xf32, #tpu.memory_space<hbm>> -> memref<32x128xf32, #tpu.memory_space<hbm>>
      %dma_start3A_161 = arith.constant 0 : i32
      %dma_start3A_162 = arith.constant 0 : i32
      %dma_start3A_163 = tpu.memref_slice %arg6[%dma_start3A_154, %dma_start3A_161, %dma_start3A_162] : memref<16x32x128xf32, #tpu.memory_space<vmem>> -> memref<1x32x128xf32, #tpu.memory_space<vmem>>
      %dma_start3A_164 = tpu.memref_squeeze %dma_start3A_163 : memref<1x32x128xf32, #tpu.memory_space<vmem>> -> memref<32x128xf32, #tpu.memory_space<vmem>>
      %dma_start3A_165 = arith.constant 0 : i32
      %dma_start3A_166 = tpu.memref_slice %arg3[%dma_start3A_165, %multiple_of3A_153] : memref<32x1000000xf32, #tpu.memory_space<hbm>> -> memref<32x128xf32, #tpu.memory_space<hbm>>
      tpu.enqueue_dma source(%dma_start3A_166 : memref<32x128xf32, #tpu.memory_space<hbm>>) target(%dma_start3A_164 : memref<32x128xf32, #tpu.memory_space<vmem>>) target_semaphore(%arg8 : memref<!tpu.dma_semaphore, #tpu.memory_space<semaphore_mem>>)
      %slice3A_167 = vector.extract_strided_slice %get3A_10 {offsets = [4], sizes = [1], strides = [1]} : vector<16xi32> to vector<1xi32>
      %squeeze3A_168 = vector.extract %slice3A_167[0] : i32 from vector<1xi32>
      %jit3A_169 = arith.constant 128 : i32
      %div3A_170 = arith.divsi %squeeze3A_168, %jit3A_169 : i32
      %sign3A_171 = arith.constant 0 : i32
      %sign3A_172 = arith.cmpi sgt, %squeeze3A_168, %sign3A_171 : i32
      %sign3A_173 = arith.extui %sign3A_172 : i1 to i32
      %sign3A_174 = arith.constant 0 : i32
      %sign3A_175 = arith.cmpi slt, %squeeze3A_168, %sign3A_174 : i32
      %sign3A_176 = arith.extui %sign3A_175 : i1 to i32
      %sign3A_177 = arith.subi %sign3A_173, %sign3A_176 : i32
      %sign3A_178 = arith.constant 0 : i32
      %sign3A_179 = arith.cmpi sgt, %jit3A_169, %sign3A_178 : i32
      %sign3A_180 = arith.extui %sign3A_179 : i1 to i32
      %sign3A_181 = arith.constant 0 : i32
      %sign3A_182 = arith.cmpi slt, %jit3A_169, %sign3A_181 : i32
      %sign3A_183 = arith.extui %sign3A_182 : i1 to i32
      %sign3A_184 = arith.subi %sign3A_180, %sign3A_183 : i32
      %ne3A_185 = arith.cmpi ne, %sign3A_177, %sign3A_184 : i32
      %rem3A_186 = arith.remsi %squeeze3A_168, %jit3A_169 : i32
      %ne3A_187 = arith.constant 0 : i32
      %ne3A_188 = arith.cmpi ne, %rem3A_186, %ne3A_187 : i32
      %and3A_189 = arith.andi %ne3A_185, %ne3A_188 : i1
      %sub3A_190 = arith.constant 1 : i32
      %sub3A_191 = arith.subi %div3A_170, %sub3A_190 : i32
      %select_n3A_192 = arith.select %and3A_189, %sub3A_191, %div3A_170 : i32
      %mul3A_193 = arith.constant 128 : i32
      %mul3A_194 = arith.muli %select_n3A_192, %mul3A_193 : i32
      %multiple_of3A_195 = tpu.assume_multiple %mul3A_194, 128 : i32
      %dma_start3A_196 = arith.constant 4 : i32
      %dma_start3A_197 = arith.constant 0 : i32
      %dma_start3A_198 = arith.constant 0 : i32
      %dma_start3A_199 = tpu.memref_slice %arg6[%dma_start3A_196, %dma_start3A_197, %dma_start3A_198] : memref<16x32x128xf32, #tpu.memory_space<vmem>> -> memref<1x32x128xf32, #tpu.memory_space<vmem>>
      %dma_start3A_200 = tpu.memref_squeeze %dma_start3A_199 : memref<1x32x128xf32, #tpu.memory_space<vmem>> -> memref<32x128xf32, #tpu.memory_space<vmem>>
      %dma_start3A_201 = arith.constant 0 : i32
      %dma_start3A_202 = tpu.memref_slice %arg3[%dma_start3A_201, %multiple_of3A_195] : memref<32x1000000xf32, #tpu.memory_space<hbm>> -> memref<32x128xf32, #tpu.memory_space<hbm>>
      %dma_start3A_203 = arith.constant 0 : i32
      %dma_start3A_204 = arith.constant 0 : i32
      %dma_start3A_205 = tpu.memref_slice %arg6[%dma_start3A_196, %dma_start3A_203, %dma_start3A_204] : memref<16x32x128xf32, #tpu.memory_space<vmem>> -> memref<1x32x128xf32, #tpu.memory_space<vmem>>
      %dma_start3A_206 = tpu.memref_squeeze %dma_start3A_205 : memref<1x32x128xf32, #tpu.memory_space<vmem>> -> memref<32x128xf32, #tpu.memory_space<vmem>>
      %dma_start3A_207 = arith.constant 0 : i32
      %dma_start3A_208 = tpu.memref_slice %arg3[%dma_start3A_207, %multiple_of3A_195] : memref<32x1000000xf32, #tpu.memory_space<hbm>> -> memref<32x128xf32, #tpu.memory_space<hbm>>
      tpu.enqueue_dma source(%dma_start3A_208 : memref<32x128xf32, #tpu.memory_space<hbm>>) target(%dma_start3A_206 : memref<32x128xf32, #tpu.memory_space<vmem>>) target_semaphore(%arg8 : memref<!tpu.dma_semaphore, #tpu.memory_space<semaphore_mem>>)
      %slice3A_209 = vector.extract_strided_slice %get3A_10 {offsets = [5], sizes = [1], strides = [1]} : vector<16xi32> to vector<1xi32>
      %squeeze3A_210 = vector.extract %slice3A_209[0] : i32 from vector<1xi32>
      %jit3A_211 = arith.constant 128 : i32
      %div3A_212 = arith.divsi %squeeze3A_210, %jit3A_211 : i32
      %sign3A_213 = arith.constant 0 : i32
      %sign3A_214 = arith.cmpi sgt, %squeeze3A_210, %sign3A_213 : i32
      %sign3A_215 = arith.extui %sign3A_214 : i1 to i32
      %sign3A_216 = arith.constant 0 : i32
      %sign3A_217 = arith.cmpi slt, %squeeze3A_210, %sign3A_216 : i32
      %sign3A_218 = arith.extui %sign3A_217 : i1 to i32
      %sign3A_219 = arith.subi %sign3A_215, %sign3A_218 : i32
      %sign3A_220 = arith.constant 0 : i32
      %sign3A_221 = arith.cmpi sgt, %jit3A_211, %sign3A_220 : i32
      %sign3A_222 = arith.extui %sign3A_221 : i1 to i32
      %sign3A_223 = arith.constant 0 : i32
      %sign3A_224 = arith.cmpi slt, %jit3A_211, %sign3A_223 : i32
      %sign3A_225 = arith.extui %sign3A_224 : i1 to i32
      %sign3A_226 = arith.subi %sign3A_222, %sign3A_225 : i32
      %ne3A_227 = arith.cmpi ne, %sign3A_219, %sign3A_226 : i32
      %rem3A_228 = arith.remsi %squeeze3A_210, %jit3A_211 : i32
      %ne3A_229 = arith.constant 0 : i32
      %ne3A_230 = arith.cmpi ne, %rem3A_228, %ne3A_229 : i32
      %and3A_231 = arith.andi %ne3A_227, %ne3A_230 : i1
      %sub3A_232 = arith.constant 1 : i32
      %sub3A_233 = arith.subi %div3A_212, %sub3A_232 : i32
      %select_n3A_234 = arith.select %and3A_231, %sub3A_233, %div3A_212 : i32
      %mul3A_235 = arith.constant 128 : i32
      %mul3A_236 = arith.muli %select_n3A_234, %mul3A_235 : i32
      %multiple_of3A_237 = tpu.assume_multiple %mul3A_236, 128 : i32
      %dma_start3A_238 = arith.constant 5 : i32
      %dma_start3A_239 = arith.constant 0 : i32
      %dma_start3A_240 = arith.constant 0 : i32
      %dma_start3A_241 = tpu.memref_slice %arg6[%dma_start3A_238, %dma_start3A_239, %dma_start3A_240] : memref<16x32x128xf32, #tpu.memory_space<vmem>> -> memref<1x32x128xf32, #tpu.memory_space<vmem>>
      %dma_start3A_242 = tpu.memref_squeeze %dma_start3A_241 : memref<1x32x128xf32, #tpu.memory_space<vmem>> -> memref<32x128xf32, #tpu.memory_space<vmem>>
      %dma_start3A_243 = arith.constant 0 : i32
      %dma_start3A_244 = tpu.memref_slice %arg3[%dma_start3A_243, %multiple_of3A_237] : memref<32x1000000xf32, #tpu.memory_space<hbm>> -> memref<32x128xf32, #tpu.memory_space<hbm>>
      %dma_start3A_245 = arith.constant 0 : i32
      %dma_start3A_246 = arith.constant 0 : i32
      %dma_start3A_247 = tpu.memref_slice %arg6[%dma_start3A_238, %dma_start3A_245, %dma_start3A_246] : memref<16x32x128xf32, #tpu.memory_space<vmem>> -> memref<1x32x128xf32, #tpu.memory_space<vmem>>
      %dma_start3A_248 = tpu.memref_squeeze %dma_start3A_247 : memref<1x32x128xf32, #tpu.memory_space<vmem>> -> memref<32x128xf32, #tpu.memory_space<vmem>>
      %dma_start3A_249 = arith.constant 0 : i32
      %dma_start3A_250 = tpu.memref_slice %arg3[%dma_start3A_249, %multiple_of3A_237] : memref<32x1000000xf32, #tpu.memory_space<hbm>> -> memref<32x128xf32, #tpu.memory_space<hbm>>
      tpu.enqueue_dma source(%dma_start3A_250 : memref<32x128xf32, #tpu.memory_space<hbm>>) target(%dma_start3A_248 : memref<32x128xf32, #tpu.memory_space<vmem>>) target_semaphore(%arg8 : memref<!tpu.dma_semaphore, #tpu.memory_space<semaphore_mem>>)
      %slice3A_251 = vector.extract_strided_slice %get3A_10 {offsets = [6], sizes = [1], strides = [1]} : vector<16xi32> to vector<1xi32>
      %squeeze3A_252 = vector.extract %slice3A_251[0] : i32 from vector<1xi32>
      %jit3A_253 = arith.constant 128 : i32
      %div3A_254 = arith.divsi %squeeze3A_252, %jit3A_253 : i32
      %sign3A_255 = arith.constant 0 : i32
      %sign3A_256 = arith.cmpi sgt, %squeeze3A_252, %sign3A_255 : i32
      %sign3A_257 = arith.extui %sign3A_256 : i1 to i32
      %sign3A_258 = arith.constant 0 : i32
      %sign3A_259 = arith.cmpi slt, %squeeze3A_252, %sign3A_258 : i32
      %sign3A_260 = arith.extui %sign3A_259 : i1 to i32
      %sign3A_261 = arith.subi %sign3A_257, %sign3A_260 : i32
      %sign3A_262 = arith.constant 0 : i32
      %sign3A_263 = arith.cmpi sgt, %jit3A_253, %sign3A_262 : i32
      %sign3A_264 = arith.extui %sign3A_263 : i1 to i32
      %sign3A_265 = arith.constant 0 : i32
      %sign3A_266 = arith.cmpi slt, %jit3A_253, %sign3A_265 : i32
      %sign3A_267 = arith.extui %sign3A_266 : i1 to i32
      %sign3A_268 = arith.subi %sign3A_264, %sign3A_267 : i32
      %ne3A_269 = arith.cmpi ne, %sign3A_261, %sign3A_268 : i32
      %rem3A_270 = arith.remsi %squeeze3A_252, %jit3A_253 : i32
      %ne3A_271 = arith.constant 0 : i32
      %ne3A_272 = arith.cmpi ne, %rem3A_270, %ne3A_271 : i32
      %and3A_273 = arith.andi %ne3A_269, %ne3A_272 : i1
      %sub3A_274 = arith.constant 1 : i32
      %sub3A_275 = arith.subi %div3A_254, %sub3A_274 : i32
      %select_n3A_276 = arith.select %and3A_273, %sub3A_275, %div3A_254 : i32
      %mul3A_277 = arith.constant 128 : i32
      %mul3A_278 = arith.muli %select_n3A_276, %mul3A_277 : i32
      %multiple_of3A_279 = tpu.assume_multiple %mul3A_278, 128 : i32
      %dma_start3A_280 = arith.constant 6 : i32
      %dma_start3A_281 = arith.constant 0 : i32
      %dma_start3A_282 = arith.constant 0 : i32
      %dma_start3A_283 = tpu.memref_slice %arg6[%dma_start3A_280, %dma_start3A_281, %dma_start3A_282] : memref<16x32x128xf32, #tpu.memory_space<vmem>> -> memref<1x32x128xf32, #tpu.memory_space<vmem>>
      %dma_start3A_284 = tpu.memref_squeeze %dma_start3A_283 : memref<1x32x128xf32, #tpu.memory_space<vmem>> -> memref<32x128xf32, #tpu.memory_space<vmem>>
      %dma_start3A_285 = arith.constant 0 : i32
      %dma_start3A_286 = tpu.memref_slice %arg3[%dma_start3A_285, %multiple_of3A_279] : memref<32x1000000xf32, #tpu.memory_space<hbm>> -> memref<32x128xf32, #tpu.memory_space<hbm>>
      %dma_start3A_287 = arith.constant 0 : i32
      %dma_start3A_288 = arith.constant 0 : i32
      %dma_start3A_289 = tpu.memref_slice %arg6[%dma_start3A_280, %dma_start3A_287, %dma_start3A_288] : memref<16x32x128xf32, #tpu.memory_space<vmem>> -> memref<1x32x128xf32, #tpu.memory_space<vmem>>
      %dma_start3A_290 = tpu.memref_squeeze %dma_start3A_289 : memref<1x32x128xf32, #tpu.memory_space<vmem>> -> memref<32x128xf32, #tpu.memory_space<vmem>>
      %dma_start3A_291 = arith.constant 0 : i32
      %dma_start3A_292 = tpu.memref_slice %arg3[%dma_start3A_291, %multiple_of3A_279] : memref<32x1000000xf32, #tpu.memory_space<hbm>> -> memref<32x128xf32, #tpu.memory_space<hbm>>
      tpu.enqueue_dma source(%dma_start3A_292 : memref<32x128xf32, #tpu.memory_space<hbm>>) target(%dma_start3A_290 : memref<32x128xf32, #tpu.memory_space<vmem>>) target_semaphore(%arg8 : memref<!tpu.dma_semaphore, #tpu.memory_space<semaphore_mem>>)
      %slice3A_293 = vector.extract_strided_slice %get3A_10 {offsets = [7], sizes = [1], strides = [1]} : vector<16xi32> to vector<1xi32>
      %squeeze3A_294 = vector.extract %slice3A_293[0] : i32 from vector<1xi32>
      %jit3A_295 = arith.constant 128 : i32
      %div3A_296 = arith.divsi %squeeze3A_294, %jit3A_295 : i32
      %sign3A_297 = arith.constant 0 : i32
      %sign3A_298 = arith.cmpi sgt, %squeeze3A_294, %sign3A_297 : i32
      %sign3A_299 = arith.extui %sign3A_298 : i1 to i32
      %sign3A_300 = arith.constant 0 : i32
      %sign3A_301 = arith.cmpi slt, %squeeze3A_294, %sign3A_300 : i32
      %sign3A_302 = arith.extui %sign3A_301 : i1 to i32
      %sign3A_303 = arith.subi %sign3A_299, %sign3A_302 : i32
      %sign3A_304 = arith.constant 0 : i32
      %sign3A_305 = arith.cmpi sgt, %jit3A_295, %sign3A_304 : i32
      %sign3A_306 = arith.extui %sign3A_305 : i1 to i32
      %sign3A_307 = arith.constant 0 : i32
      %sign3A_308 = arith.cmpi slt, %jit3A_295, %sign3A_307 : i32
      %sign3A_309 = arith.extui %sign3A_308 : i1 to i32
      %sign3A_310 = arith.subi %sign3A_306, %sign3A_309 : i32
      %ne3A_311 = arith.cmpi ne, %sign3A_303, %sign3A_310 : i32
      %rem3A_312 = arith.remsi %squeeze3A_294, %jit3A_295 : i32
      %ne3A_313 = arith.constant 0 : i32
      %ne3A_314 = arith.cmpi ne, %rem3A_312, %ne3A_313 : i32
      %and3A_315 = arith.andi %ne3A_311, %ne3A_314 : i1
      %sub3A_316 = arith.constant 1 : i32
      %sub3A_317 = arith.subi %div3A_296, %sub3A_316 : i32
      %select_n3A_318 = arith.select %and3A_315, %sub3A_317, %div3A_296 : i32
      %mul3A_319 = arith.constant 128 : i32
      %mul3A_320 = arith.muli %select_n3A_318, %mul3A_319 : i32
      %multiple_of3A_321 = tpu.assume_multiple %mul3A_320, 128 : i32
      %dma_start3A_322 = arith.constant 7 : i32
      %dma_start3A_323 = arith.constant 0 : i32
      %dma_start3A_324 = arith.constant 0 : i32
      %dma_start3A_325 = tpu.memref_slice %arg6[%dma_start3A_322, %dma_start3A_323, %dma_start3A_324] : memref<16x32x128xf32, #tpu.memory_space<vmem>> -> memref<1x32x128xf32, #tpu.memory_space<vmem>>
      %dma_start3A_326 = tpu.memref_squeeze %dma_start3A_325 : memref<1x32x128xf32, #tpu.memory_space<vmem>> -> memref<32x128xf32, #tpu.memory_space<vmem>>
      %dma_start3A_327 = arith.constant 0 : i32
      %dma_start3A_328 = tpu.memref_slice %arg3[%dma_start3A_327, %multiple_of3A_321] : memref<32x1000000xf32, #tpu.memory_space<hbm>> -> memref<32x128xf32, #tpu.memory_space<hbm>>
      %dma_start3A_329 = arith.constant 0 : i32
      %dma_start3A_330 = arith.constant 0 : i32
      %dma_start3A_331 = tpu.memref_slice %arg6[%dma_start3A_322, %dma_start3A_329, %dma_start3A_330] : memref<16x32x128xf32, #tpu.memory_space<vmem>> -> memref<1x32x128xf32, #tpu.memory_space<vmem>>
      %dma_start3A_332 = tpu.memref_squeeze %dma_start3A_331 : memref<1x32x128xf32, #tpu.memory_space<vmem>> -> memref<32x128xf32, #tpu.memory_space<vmem>>
      %dma_start3A_333 = arith.constant 0 : i32
      %dma_start3A_334 = tpu.memref_slice %arg3[%dma_start3A_333, %multiple_of3A_321] : memref<32x1000000xf32, #tpu.memory_space<hbm>> -> memref<32x128xf32, #tpu.memory_space<hbm>>
      tpu.enqueue_dma source(%dma_start3A_334 : memref<32x128xf32, #tpu.memory_space<hbm>>) target(%dma_start3A_332 : memref<32x128xf32, #tpu.memory_space<vmem>>) target_semaphore(%arg8 : memref<!tpu.dma_semaphore, #tpu.memory_space<semaphore_mem>>)
      %slice3A_335 = vector.extract_strided_slice %get3A_10 {offsets = [8], sizes = [1], strides = [1]} : vector<16xi32> to vector<1xi32>
      %squeeze3A_336 = vector.extract %slice3A_335[0] : i32 from vector<1xi32>
      %jit3A_337 = arith.constant 128 : i32
      %div3A_338 = arith.divsi %squeeze3A_336, %jit3A_337 : i32
      %sign3A_339 = arith.constant 0 : i32
      %sign3A_340 = arith.cmpi sgt, %squeeze3A_336, %sign3A_339 : i32
      %sign3A_341 = arith.extui %sign3A_340 : i1 to i32
      %sign3A_342 = arith.constant 0 : i32
      %sign3A_343 = arith.cmpi slt, %squeeze3A_336, %sign3A_342 : i32
      %sign3A_344 = arith.extui %sign3A_343 : i1 to i32
      %sign3A_345 = arith.subi %sign3A_341, %sign3A_344 : i32
      %sign3A_346 = arith.constant 0 : i32
      %sign3A_347 = arith.cmpi sgt, %jit3A_337, %sign3A_346 : i32
      %sign3A_348 = arith.extui %sign3A_347 : i1 to i32
      %sign3A_349 = arith.constant 0 : i32
      %sign3A_350 = arith.cmpi slt, %jit3A_337, %sign3A_349 : i32
      %sign3A_351 = arith.extui %sign3A_350 : i1 to i32
      %sign3A_352 = arith.subi %sign3A_348, %sign3A_351 : i32
      %ne3A_353 = arith.cmpi ne, %sign3A_345, %sign3A_352 : i32
      %rem3A_354 = arith.remsi %squeeze3A_336, %jit3A_337 : i32
      %ne3A_355 = arith.constant 0 : i32
      %ne3A_356 = arith.cmpi ne, %rem3A_354, %ne3A_355 : i32
      %and3A_357 = arith.andi %ne3A_353, %ne3A_356 : i1
      %sub3A_358 = arith.constant 1 : i32
      %sub3A_359 = arith.subi %div3A_338, %sub3A_358 : i32
      %select_n3A_360 = arith.select %and3A_357, %sub3A_359, %div3A_338 : i32
      %mul3A_361 = arith.constant 128 : i32
      %mul3A_362 = arith.muli %select_n3A_360, %mul3A_361 : i32
      %multiple_of3A_363 = tpu.assume_multiple %mul3A_362, 128 : i32
      %dma_start3A_364 = arith.constant 8 : i32
      %dma_start3A_365 = arith.constant 0 : i32
      %dma_start3A_366 = arith.constant 0 : i32
      %dma_start3A_367 = tpu.memref_slice %arg6[%dma_start3A_364, %dma_start3A_365, %dma_start3A_366] : memref<16x32x128xf32, #tpu.memory_space<vmem>> -> memref<1x32x128xf32, #tpu.memory_space<vmem>>
      %dma_start3A_368 = tpu.memref_squeeze %dma_start3A_367 : memref<1x32x128xf32, #tpu.memory_space<vmem>> -> memref<32x128xf32, #tpu.memory_space<vmem>>
      %dma_start3A_369 = arith.constant 0 : i32
      %dma_start3A_370 = tpu.memref_slice %arg3[%dma_start3A_369, %multiple_of3A_363] : memref<32x1000000xf32, #tpu.memory_space<hbm>> -> memref<32x128xf32, #tpu.memory_space<hbm>>
      %dma_start3A_371 = arith.constant 0 : i32
      %dma_start3A_372 = arith.constant 0 : i32
      %dma_start3A_373 = tpu.memref_slice %arg6[%dma_start3A_364, %dma_start3A_371, %dma_start3A_372] : memref<16x32x128xf32, #tpu.memory_space<vmem>> -> memref<1x32x128xf32, #tpu.memory_space<vmem>>
      %dma_start3A_374 = tpu.memref_squeeze %dma_start3A_373 : memref<1x32x128xf32, #tpu.memory_space<vmem>> -> memref<32x128xf32, #tpu.memory_space<vmem>>
      %dma_start3A_375 = arith.constant 0 : i32
      %dma_start3A_376 = tpu.memref_slice %arg3[%dma_start3A_375, %multiple_of3A_363] : memref<32x1000000xf32, #tpu.memory_space<hbm>> -> memref<32x128xf32, #tpu.memory_space<hbm>>
      tpu.enqueue_dma source(%dma_start3A_376 : memref<32x128xf32, #tpu.memory_space<hbm>>) target(%dma_start3A_374 : memref<32x128xf32, #tpu.memory_space<vmem>>) target_semaphore(%arg8 : memref<!tpu.dma_semaphore, #tpu.memory_space<semaphore_mem>>)
      %slice3A_377 = vector.extract_strided_slice %get3A_10 {offsets = [9], sizes = [1], strides = [1]} : vector<16xi32> to vector<1xi32>
      %squeeze3A_378 = vector.extract %slice3A_377[0] : i32 from vector<1xi32>
      %jit3A_379 = arith.constant 128 : i32
      %div3A_380 = arith.divsi %squeeze3A_378, %jit3A_379 : i32
      %sign3A_381 = arith.constant 0 : i32
      %sign3A_382 = arith.cmpi sgt, %squeeze3A_378, %sign3A_381 : i32
      %sign3A_383 = arith.extui %sign3A_382 : i1 to i32
      %sign3A_384 = arith.constant 0 : i32
      %sign3A_385 = arith.cmpi slt, %squeeze3A_378, %sign3A_384 : i32
      %sign3A_386 = arith.extui %sign3A_385 : i1 to i32
      %sign3A_387 = arith.subi %sign3A_383, %sign3A_386 : i32
      %sign3A_388 = arith.constant 0 : i32
      %sign3A_389 = arith.cmpi sgt, %jit3A_379, %sign3A_388 : i32
      %sign3A_390 = arith.extui %sign3A_389 : i1 to i32
      %sign3A_391 = arith.constant 0 : i32
      %sign3A_392 = arith.cmpi slt, %jit3A_379, %sign3A_391 : i32
      %sign3A_393 = arith.extui %sign3A_392 : i1 to i32
      %sign3A_394 = arith.subi %sign3A_390, %sign3A_393 : i32
      %ne3A_395 = arith.cmpi ne, %sign3A_387, %sign3A_394 : i32
      %rem3A_396 = arith.remsi %squeeze3A_378, %jit3A_379 : i32
      %ne3A_397 = arith.constant 0 : i32
      %ne3A_398 = arith.cmpi ne, %rem3A_396, %ne3A_397 : i32
      %and3A_399 = arith.andi %ne3A_395, %ne3A_398 : i1
      %sub3A_400 = arith.constant 1 : i32
      %sub3A_401 = arith.subi %div3A_380, %sub3A_400 : i32
      %select_n3A_402 = arith.select %and3A_399, %sub3A_401, %div3A_380 : i32
      %mul3A_403 = arith.constant 128 : i32
      %mul3A_404 = arith.muli %select_n3A_402, %mul3A_403 : i32
      %multiple_of3A_405 = tpu.assume_multiple %mul3A_404, 128 : i32
      %dma_start3A_406 = arith.constant 9 : i32
      %dma_start3A_407 = arith.constant 0 : i32
      %dma_start3A_408 = arith.constant 0 : i32
      %dma_start3A_409 = tpu.memref_slice %arg6[%dma_start3A_406, %dma_start3A_407, %dma_start3A_408] : memref<16x32x128xf32, #tpu.memory_space<vmem>> -> memref<1x32x128xf32, #tpu.memory_space<vmem>>
      %dma_start3A_410 = tpu.memref_squeeze %dma_start3A_409 : memref<1x32x128xf32, #tpu.memory_space<vmem>> -> memref<32x128xf32, #tpu.memory_space<vmem>>
      %dma_start3A_411 = arith.constant 0 : i32
      %dma_start3A_412 = tpu.memref_slice %arg3[%dma_start3A_411, %multiple_of3A_405] : memref<32x1000000xf32, #tpu.memory_space<hbm>> -> memref<32x128xf32, #tpu.memory_space<hbm>>
      %dma_start3A_413 = arith.constant 0 : i32
      %dma_start3A_414 = arith.constant 0 : i32
      %dma_start3A_415 = tpu.memref_slice %arg6[%dma_start3A_406, %dma_start3A_413, %dma_start3A_414] : memref<16x32x128xf32, #tpu.memory_space<vmem>> -> memref<1x32x128xf32, #tpu.memory_space<vmem>>
      %dma_start3A_416 = tpu.memref_squeeze %dma_start3A_415 : memref<1x32x128xf32, #tpu.memory_space<vmem>> -> memref<32x128xf32, #tpu.memory_space<vmem>>
      %dma_start3A_417 = arith.constant 0 : i32
      %dma_start3A_418 = tpu.memref_slice %arg3[%dma_start3A_417, %multiple_of3A_405] : memref<32x1000000xf32, #tpu.memory_space<hbm>> -> memref<32x128xf32, #tpu.memory_space<hbm>>
      tpu.enqueue_dma source(%dma_start3A_418 : memref<32x128xf32, #tpu.memory_space<hbm>>) target(%dma_start3A_416 : memref<32x128xf32, #tpu.memory_space<vmem>>) target_semaphore(%arg8 : memref<!tpu.dma_semaphore, #tpu.memory_space<semaphore_mem>>)
      %slice3A_419 = vector.extract_strided_slice %get3A_10 {offsets = [10], sizes = [1], strides = [1]} : vector<16xi32> to vector<1xi32>
      %squeeze3A_420 = vector.extract %slice3A_419[0] : i32 from vector<1xi32>
      %jit3A_421 = arith.constant 128 : i32
      %div3A_422 = arith.divsi %squeeze3A_420, %jit3A_421 : i32
      %sign3A_423 = arith.constant 0 : i32
      %sign3A_424 = arith.cmpi sgt, %squeeze3A_420, %sign3A_423 : i32
      %sign3A_425 = arith.extui %sign3A_424 : i1 to i32
      %sign3A_426 = arith.constant 0 : i32
      %sign3A_427 = arith.cmpi slt, %squeeze3A_420, %sign3A_426 : i32
      %sign3A_428 = arith.extui %sign3A_427 : i1 to i32
      %sign3A_429 = arith.subi %sign3A_425, %sign3A_428 : i32
      %sign3A_430 = arith.constant 0 : i32
      %sign3A_431 = arith.cmpi sgt, %jit3A_421, %sign3A_430 : i32
      %sign3A_432 = arith.extui %sign3A_431 : i1 to i32
      %sign3A_433 = arith.constant 0 : i32
      %sign3A_434 = arith.cmpi slt, %jit3A_421, %sign3A_433 : i32
      %sign3A_435 = arith.extui %sign3A_434 : i1 to i32
      %sign3A_436 = arith.subi %sign3A_432, %sign3A_435 : i32
      %ne3A_437 = arith.cmpi ne, %sign3A_429, %sign3A_436 : i32
      %rem3A_438 = arith.remsi %squeeze3A_420, %jit3A_421 : i32
      %ne3A_439 = arith.constant 0 : i32
      %ne3A_440 = arith.cmpi ne, %rem3A_438, %ne3A_439 : i32
      %and3A_441 = arith.andi %ne3A_437, %ne3A_440 : i1
      %sub3A_442 = arith.constant 1 : i32
      %sub3A_443 = arith.subi %div3A_422, %sub3A_442 : i32
      %select_n3A_444 = arith.select %and3A_441, %sub3A_443, %div3A_422 : i32
      %mul3A_445 = arith.constant 128 : i32
      %mul3A_446 = arith.muli %select_n3A_444, %mul3A_445 : i32
      %multiple_of3A_447 = tpu.assume_multiple %mul3A_446, 128 : i32
      %dma_start3A_448 = arith.constant 10 : i32
      %dma_start3A_449 = arith.constant 0 : i32
      %dma_start3A_450 = arith.constant 0 : i32
      %dma_start3A_451 = tpu.memref_slice %arg6[%dma_start3A_448, %dma_start3A_449, %dma_start3A_450] : memref<16x32x128xf32, #tpu.memory_space<vmem>> -> memref<1x32x128xf32, #tpu.memory_space<vmem>>
      %dma_start3A_452 = tpu.memref_squeeze %dma_start3A_451 : memref<1x32x128xf32, #tpu.memory_space<vmem>> -> memref<32x128xf32, #tpu.memory_space<vmem>>
      %dma_start3A_453 = arith.constant 0 : i32
      %dma_start3A_454 = tpu.memref_slice %arg3[%dma_start3A_453, %multiple_of3A_447] : memref<32x1000000xf32, #tpu.memory_space<hbm>> -> memref<32x128xf32, #tpu.memory_space<hbm>>
      %dma_start3A_455 = arith.constant 0 : i32
      %dma_start3A_456 = arith.constant 0 : i32
      %dma_start3A_457 = tpu.memref_slice %arg6[%dma_start3A_448, %dma_start3A_455, %dma_start3A_456] : memref<16x32x128xf32, #tpu.memory_space<vmem>> -> memref<1x32x128xf32, #tpu.memory_space<vmem>>
      %dma_start3A_458 = tpu.memref_squeeze %dma_start3A_457 : memref<1x32x128xf32, #tpu.memory_space<vmem>> -> memref<32x128xf32, #tpu.memory_space<vmem>>
      %dma_start3A_459 = arith.constant 0 : i32
      %dma_start3A_460 = tpu.memref_slice %arg3[%dma_start3A_459, %multiple_of3A_447] : memref<32x1000000xf32, #tpu.memory_space<hbm>> -> memref<32x128xf32, #tpu.memory_space<hbm>>
      tpu.enqueue_dma source(%dma_start3A_460 : memref<32x128xf32, #tpu.memory_space<hbm>>) target(%dma_start3A_458 : memref<32x128xf32, #tpu.memory_space<vmem>>) target_semaphore(%arg8 : memref<!tpu.dma_semaphore, #tpu.memory_space<semaphore_mem>>)
      %slice3A_461 = vector.extract_strided_slice %get3A_10 {offsets = [11], sizes = [1], strides = [1]} : vector<16xi32> to vector<1xi32>
      %squeeze3A_462 = vector.extract %slice3A_461[0] : i32 from vector<1xi32>
      %jit3A_463 = arith.constant 128 : i32
      %div3A_464 = arith.divsi %squeeze3A_462, %jit3A_463 : i32
      %sign3A_465 = arith.constant 0 : i32
      %sign3A_466 = arith.cmpi sgt, %squeeze3A_462, %sign3A_465 : i32
      %sign3A_467 = arith.extui %sign3A_466 : i1 to i32
      %sign3A_468 = arith.constant 0 : i32
      %sign3A_469 = arith.cmpi slt, %squeeze3A_462, %sign3A_468 : i32
      %sign3A_470 = arith.extui %sign3A_469 : i1 to i32
      %sign3A_471 = arith.subi %sign3A_467, %sign3A_470 : i32
      %sign3A_472 = arith.constant 0 : i32
      %sign3A_473 = arith.cmpi sgt, %jit3A_463, %sign3A_472 : i32
      %sign3A_474 = arith.extui %sign3A_473 : i1 to i32
      %sign3A_475 = arith.constant 0 : i32
      %sign3A_476 = arith.cmpi slt, %jit3A_463, %sign3A_475 : i32
      %sign3A_477 = arith.extui %sign3A_476 : i1 to i32
      %sign3A_478 = arith.subi %sign3A_474, %sign3A_477 : i32
      %ne3A_479 = arith.cmpi ne, %sign3A_471, %sign3A_478 : i32
      %rem3A_480 = arith.remsi %squeeze3A_462, %jit3A_463 : i32
      %ne3A_481 = arith.constant 0 : i32
      %ne3A_482 = arith.cmpi ne, %rem3A_480, %ne3A_481 : i32
      %and3A_483 = arith.andi %ne3A_479, %ne3A_482 : i1
      %sub3A_484 = arith.constant 1 : i32
      %sub3A_485 = arith.subi %div3A_464, %sub3A_484 : i32
      %select_n3A_486 = arith.select %and3A_483, %sub3A_485, %div3A_464 : i32
      %mul3A_487 = arith.constant 128 : i32
      %mul3A_488 = arith.muli %select_n3A_486, %mul3A_487 : i32
      %multiple_of3A_489 = tpu.assume_multiple %mul3A_488, 128 : i32
      %dma_start3A_490 = arith.constant 11 : i32
      %dma_start3A_491 = arith.constant 0 : i32
      %dma_start3A_492 = arith.constant 0 : i32
      %dma_start3A_493 = tpu.memref_slice %arg6[%dma_start3A_490, %dma_start3A_491, %dma_start3A_492] : memref<16x32x128xf32, #tpu.memory_space<vmem>> -> memref<1x32x128xf32, #tpu.memory_space<vmem>>
      %dma_start3A_494 = tpu.memref_squeeze %dma_start3A_493 : memref<1x32x128xf32, #tpu.memory_space<vmem>> -> memref<32x128xf32, #tpu.memory_space<vmem>>
      %dma_start3A_495 = arith.constant 0 : i32
      %dma_start3A_496 = tpu.memref_slice %arg3[%dma_start3A_495, %multiple_of3A_489] : memref<32x1000000xf32, #tpu.memory_space<hbm>> -> memref<32x128xf32, #tpu.memory_space<hbm>>
      %dma_start3A_497 = arith.constant 0 : i32
      %dma_start3A_498 = arith.constant 0 : i32
      %dma_start3A_499 = tpu.memref_slice %arg6[%dma_start3A_490, %dma_start3A_497, %dma_start3A_498] : memref<16x32x128xf32, #tpu.memory_space<vmem>> -> memref<1x32x128xf32, #tpu.memory_space<vmem>>
      %dma_start3A_500 = tpu.memref_squeeze %dma_start3A_499 : memref<1x32x128xf32, #tpu.memory_space<vmem>> -> memref<32x128xf32, #tpu.memory_space<vmem>>
      %dma_start3A_501 = arith.constant 0 : i32
      %dma_start3A_502 = tpu.memref_slice %arg3[%dma_start3A_501, %multiple_of3A_489] : memref<32x1000000xf32, #tpu.memory_space<hbm>> -> memref<32x128xf32, #tpu.memory_space<hbm>>
      tpu.enqueue_dma source(%dma_start3A_502 : memref<32x128xf32, #tpu.memory_space<hbm>>) target(%dma_start3A_500 : memref<32x128xf32, #tpu.memory_space<vmem>>) target_semaphore(%arg8 : memref<!tpu.dma_semaphore, #tpu.memory_space<semaphore_mem>>)
      %slice3A_503 = vector.extract_strided_slice %get3A_10 {offsets = [12], sizes = [1], strides = [1]} : vector<16xi32> to vector<1xi32>
      %squeeze3A_504 = vector.extract %slice3A_503[0] : i32 from vector<1xi32>
      %jit3A_505 = arith.constant 128 : i32
      %div3A_506 = arith.divsi %squeeze3A_504, %jit3A_505 : i32
      %sign3A_507 = arith.constant 0 : i32
      %sign3A_508 = arith.cmpi sgt, %squeeze3A_504, %sign3A_507 : i32
      %sign3A_509 = arith.extui %sign3A_508 : i1 to i32
      %sign3A_510 = arith.constant 0 : i32
      %sign3A_511 = arith.cmpi slt, %squeeze3A_504, %sign3A_510 : i32
      %sign3A_512 = arith.extui %sign3A_511 : i1 to i32
      %sign3A_513 = arith.subi %sign3A_509, %sign3A_512 : i32
      %sign3A_514 = arith.constant 0 : i32
      %sign3A_515 = arith.cmpi sgt, %jit3A_505, %sign3A_514 : i32
      %sign3A_516 = arith.extui %sign3A_515 : i1 to i32
      %sign3A_517 = arith.constant 0 : i32
      %sign3A_518 = arith.cmpi slt, %jit3A_505, %sign3A_517 : i32
      %sign3A_519 = arith.extui %sign3A_518 : i1 to i32
      %sign3A_520 = arith.subi %sign3A_516, %sign3A_519 : i32
      %ne3A_521 = arith.cmpi ne, %sign3A_513, %sign3A_520 : i32
      %rem3A_522 = arith.remsi %squeeze3A_504, %jit3A_505 : i32
      %ne3A_523 = arith.constant 0 : i32
      %ne3A_524 = arith.cmpi ne, %rem3A_522, %ne3A_523 : i32
      %and3A_525 = arith.andi %ne3A_521, %ne3A_524 : i1
      %sub3A_526 = arith.constant 1 : i32
      %sub3A_527 = arith.subi %div3A_506, %sub3A_526 : i32
      %select_n3A_528 = arith.select %and3A_525, %sub3A_527, %div3A_506 : i32
      %mul3A_529 = arith.constant 128 : i32
      %mul3A_530 = arith.muli %select_n3A_528, %mul3A_529 : i32
      %multiple_of3A_531 = tpu.assume_multiple %mul3A_530, 128 : i32
      %dma_start3A_532 = arith.constant 12 : i32
      %dma_start3A_533 = arith.constant 0 : i32
      %dma_start3A_534 = arith.constant 0 : i32
      %dma_start3A_535 = tpu.memref_slice %arg6[%dma_start3A_532, %dma_start3A_533, %dma_start3A_534] : memref<16x32x128xf32, #tpu.memory_space<vmem>> -> memref<1x32x128xf32, #tpu.memory_space<vmem>>
      %dma_start3A_536 = tpu.memref_squeeze %dma_start3A_535 : memref<1x32x128xf32, #tpu.memory_space<vmem>> -> memref<32x128xf32, #tpu.memory_space<vmem>>
      %dma_start3A_537 = arith.constant 0 : i32
      %dma_start3A_538 = tpu.memref_slice %arg3[%dma_start3A_537, %multiple_of3A_531] : memref<32x1000000xf32, #tpu.memory_space<hbm>> -> memref<32x128xf32, #tpu.memory_space<hbm>>
      %dma_start3A_539 = arith.constant 0 : i32
      %dma_start3A_540 = arith.constant 0 : i32
      %dma_start3A_541 = tpu.memref_slice %arg6[%dma_start3A_532, %dma_start3A_539, %dma_start3A_540] : memref<16x32x128xf32, #tpu.memory_space<vmem>> -> memref<1x32x128xf32, #tpu.memory_space<vmem>>
      %dma_start3A_542 = tpu.memref_squeeze %dma_start3A_541 : memref<1x32x128xf32, #tpu.memory_space<vmem>> -> memref<32x128xf32, #tpu.memory_space<vmem>>
      %dma_start3A_543 = arith.constant 0 : i32
      %dma_start3A_544 = tpu.memref_slice %arg3[%dma_start3A_543, %multiple_of3A_531] : memref<32x1000000xf32, #tpu.memory_space<hbm>> -> memref<32x128xf32, #tpu.memory_space<hbm>>
      tpu.enqueue_dma source(%dma_start3A_544 : memref<32x128xf32, #tpu.memory_space<hbm>>) target(%dma_start3A_542 : memref<32x128xf32, #tpu.memory_space<vmem>>) target_semaphore(%arg8 : memref<!tpu.dma_semaphore, #tpu.memory_space<semaphore_mem>>)
      %slice3A_545 = vector.extract_strided_slice %get3A_10 {offsets = [13], sizes = [1], strides = [1]} : vector<16xi32> to vector<1xi32>
      %squeeze3A_546 = vector.extract %slice3A_545[0] : i32 from vector<1xi32>
      %jit3A_547 = arith.constant 128 : i32
      %div3A_548 = arith.divsi %squeeze3A_546, %jit3A_547 : i32
      %sign3A_549 = arith.constant 0 : i32
      %sign3A_550 = arith.cmpi sgt, %squeeze3A_546, %sign3A_549 : i32
      %sign3A_551 = arith.extui %sign3A_550 : i1 to i32
      %sign3A_552 = arith.constant 0 : i32
      %sign3A_553 = arith.cmpi slt, %squeeze3A_546, %sign3A_552 : i32
      %sign3A_554 = arith.extui %sign3A_553 : i1 to i32
      %sign3A_555 = arith.subi %sign3A_551, %sign3A_554 : i32
      %sign3A_556 = arith.constant 0 : i32
      %sign3A_557 = arith.cmpi sgt, %jit3A_547, %sign3A_556 : i32
      %sign3A_558 = arith.extui %sign3A_557 : i1 to i32
      %sign3A_559 = arith.constant 0 : i32
      %sign3A_560 = arith.cmpi slt, %jit3A_547, %sign3A_559 : i32
      %sign3A_561 = arith.extui %sign3A_560 : i1 to i32
      %sign3A_562 = arith.subi %sign3A_558, %sign3A_561 : i32
      %ne3A_563 = arith.cmpi ne, %sign3A_555, %sign3A_562 : i32
      %rem3A_564 = arith.remsi %squeeze3A_546, %jit3A_547 : i32
      %ne3A_565 = arith.constant 0 : i32
      %ne3A_566 = arith.cmpi ne, %rem3A_564, %ne3A_565 : i32
      %and3A_567 = arith.andi %ne3A_563, %ne3A_566 : i1
      %sub3A_568 = arith.constant 1 : i32
      %sub3A_569 = arith.subi %div3A_548, %sub3A_568 : i32
      %select_n3A_570 = arith.select %and3A_567, %sub3A_569, %div3A_548 : i32
      %mul3A_571 = arith.constant 128 : i32
      %mul3A_572 = arith.muli %select_n3A_570, %mul3A_571 : i32
      %multiple_of3A_573 = tpu.assume_multiple %mul3A_572, 128 : i32
      %dma_start3A_574 = arith.constant 13 : i32
      %dma_start3A_575 = arith.constant 0 : i32
      %dma_start3A_576 = arith.constant 0 : i32
      %dma_start3A_577 = tpu.memref_slice %arg6[%dma_start3A_574, %dma_start3A_575, %dma_start3A_576] : memref<16x32x128xf32, #tpu.memory_space<vmem>> -> memref<1x32x128xf32, #tpu.memory_space<vmem>>
      %dma_start3A_578 = tpu.memref_squeeze %dma_start3A_577 : memref<1x32x128xf32, #tpu.memory_space<vmem>> -> memref<32x128xf32, #tpu.memory_space<vmem>>
      %dma_start3A_579 = arith.constant 0 : i32
      %dma_start3A_580 = tpu.memref_slice %arg3[%dma_start3A_579, %multiple_of3A_573] : memref<32x1000000xf32, #tpu.memory_space<hbm>> -> memref<32x128xf32, #tpu.memory_space<hbm>>
      %dma_start3A_581 = arith.constant 0 : i32
      %dma_start3A_582 = arith.constant 0 : i32
      %dma_start3A_583 = tpu.memref_slice %arg6[%dma_start3A_574, %dma_start3A_581, %dma_start3A_582] : memref<16x32x128xf32, #tpu.memory_space<vmem>> -> memref<1x32x128xf32, #tpu.memory_space<vmem>>
      %dma_start3A_584 = tpu.memref_squeeze %dma_start3A_583 : memref<1x32x128xf32, #tpu.memory_space<vmem>> -> memref<32x128xf32, #tpu.memory_space<vmem>>
      %dma_start3A_585 = arith.constant 0 : i32
      %dma_start3A_586 = tpu.memref_slice %arg3[%dma_start3A_585, %multiple_of3A_573] : memref<32x1000000xf32, #tpu.memory_space<hbm>> -> memref<32x128xf32, #tpu.memory_space<hbm>>
      tpu.enqueue_dma source(%dma_start3A_586 : memref<32x128xf32, #tpu.memory_space<hbm>>) target(%dma_start3A_584 : memref<32x128xf32, #tpu.memory_space<vmem>>) target_semaphore(%arg8 : memref<!tpu.dma_semaphore, #tpu.memory_space<semaphore_mem>>)
      %slice3A_587 = vector.extract_strided_slice %get3A_10 {offsets = [14], sizes = [1], strides = [1]} : vector<16xi32> to vector<1xi32>
      %squeeze3A_588 = vector.extract %slice3A_587[0] : i32 from vector<1xi32>
      %jit3A_589 = arith.constant 128 : i32
      %div3A_590 = arith.divsi %squeeze3A_588, %jit3A_589 : i32
      %sign3A_591 = arith.constant 0 : i32
      %sign3A_592 = arith.cmpi sgt, %squeeze3A_588, %sign3A_591 : i32
      %sign3A_593 = arith.extui %sign3A_592 : i1 to i32
      %sign3A_594 = arith.constant 0 : i32
      %sign3A_595 = arith.cmpi slt, %squeeze3A_588, %sign3A_594 : i32
      %sign3A_596 = arith.extui %sign3A_595 : i1 to i32
      %sign3A_597 = arith.subi %sign3A_593, %sign3A_596 : i32
      %sign3A_598 = arith.constant 0 : i32
      %sign3A_599 = arith.cmpi sgt, %jit3A_589, %sign3A_598 : i32
      %sign3A_600 = arith.extui %sign3A_599 : i1 to i32
      %sign3A_601 = arith.constant 0 : i32
      %sign3A_602 = arith.cmpi slt, %jit3A_589, %sign3A_601 : i32
      %sign3A_603 = arith.extui %sign3A_602 : i1 to i32
      %sign3A_604 = arith.subi %sign3A_600, %sign3A_603 : i32
      %ne3A_605 = arith.cmpi ne, %sign3A_597, %sign3A_604 : i32
      %rem3A_606 = arith.remsi %squeeze3A_588, %jit3A_589 : i32
      %ne3A_607 = arith.constant 0 : i32
      %ne3A_608 = arith.cmpi ne, %rem3A_606, %ne3A_607 : i32
      %and3A_609 = arith.andi %ne3A_605, %ne3A_608 : i1
      %sub3A_610 = arith.constant 1 : i32
      %sub3A_611 = arith.subi %div3A_590, %sub3A_610 : i32
      %select_n3A_612 = arith.select %and3A_609, %sub3A_611, %div3A_590 : i32
      %mul3A_613 = arith.constant 128 : i32
      %mul3A_614 = arith.muli %select_n3A_612, %mul3A_613 : i32
      %multiple_of3A_615 = tpu.assume_multiple %mul3A_614, 128 : i32
      %dma_start3A_616 = arith.constant 14 : i32
      %dma_start3A_617 = arith.constant 0 : i32
      %dma_start3A_618 = arith.constant 0 : i32
      %dma_start3A_619 = tpu.memref_slice %arg6[%dma_start3A_616, %dma_start3A_617, %dma_start3A_618] : memref<16x32x128xf32, #tpu.memory_space<vmem>> -> memref<1x32x128xf32, #tpu.memory_space<vmem>>
      %dma_start3A_620 = tpu.memref_squeeze %dma_start3A_619 : memref<1x32x128xf32, #tpu.memory_space<vmem>> -> memref<32x128xf32, #tpu.memory_space<vmem>>
      %dma_start3A_621 = arith.constant 0 : i32
      %dma_start3A_622 = tpu.memref_slice %arg3[%dma_start3A_621, %multiple_of3A_615] : memref<32x1000000xf32, #tpu.memory_space<hbm>> -> memref<32x128xf32, #tpu.memory_space<hbm>>
      %dma_start3A_623 = arith.constant 0 : i32
      %dma_start3A_624 = arith.constant 0 : i32
      %dma_start3A_625 = tpu.memref_slice %arg6[%dma_start3A_616, %dma_start3A_623, %dma_start3A_624] : memref<16x32x128xf32, #tpu.memory_space<vmem>> -> memref<1x32x128xf32, #tpu.memory_space<vmem>>
      %dma_start3A_626 = tpu.memref_squeeze %dma_start3A_625 : memref<1x32x128xf32, #tpu.memory_space<vmem>> -> memref<32x128xf32, #tpu.memory_space<vmem>>
      %dma_start3A_627 = arith.constant 0 : i32
      %dma_start3A_628 = tpu.memref_slice %arg3[%dma_start3A_627, %multiple_of3A_615] : memref<32x1000000xf32, #tpu.memory_space<hbm>> -> memref<32x128xf32, #tpu.memory_space<hbm>>
      tpu.enqueue_dma source(%dma_start3A_628 : memref<32x128xf32, #tpu.memory_space<hbm>>) target(%dma_start3A_626 : memref<32x128xf32, #tpu.memory_space<vmem>>) target_semaphore(%arg8 : memref<!tpu.dma_semaphore, #tpu.memory_space<semaphore_mem>>)
      %slice3A_629 = vector.extract_strided_slice %get3A_10 {offsets = [15], sizes = [1], strides = [1]} : vector<16xi32> to vector<1xi32>
      %squeeze3A_630 = vector.extract %slice3A_629[0] : i32 from vector<1xi32>
      %jit3A_631 = arith.constant 128 : i32
      %div3A_632 = arith.divsi %squeeze3A_630, %jit3A_631 : i32
      %sign3A_633 = arith.constant 0 : i32
      %sign3A_634 = arith.cmpi sgt, %squeeze3A_630, %sign3A_633 : i32
      %sign3A_635 = arith.extui %sign3A_634 : i1 to i32
      %sign3A_636 = arith.constant 0 : i32
      %sign3A_637 = arith.cmpi slt, %squeeze3A_630, %sign3A_636 : i32
      %sign3A_638 = arith.extui %sign3A_637 : i1 to i32
      %sign3A_639 = arith.subi %sign3A_635, %sign3A_638 : i32
      %sign3A_640 = arith.constant 0 : i32
      %sign3A_641 = arith.cmpi sgt, %jit3A_631, %sign3A_640 : i32
      %sign3A_642 = arith.extui %sign3A_641 : i1 to i32
      %sign3A_643 = arith.constant 0 : i32
      %sign3A_644 = arith.cmpi slt, %jit3A_631, %sign3A_643 : i32
      %sign3A_645 = arith.extui %sign3A_644 : i1 to i32
      %sign3A_646 = arith.subi %sign3A_642, %sign3A_645 : i32
      %ne3A_647 = arith.cmpi ne, %sign3A_639, %sign3A_646 : i32
      %rem3A_648 = arith.remsi %squeeze3A_630, %jit3A_631 : i32
      %ne3A_649 = arith.constant 0 : i32
      %ne3A_650 = arith.cmpi ne, %rem3A_648, %ne3A_649 : i32
      %and3A_651 = arith.andi %ne3A_647, %ne3A_650 : i1
      %sub3A_652 = arith.constant 1 : i32
      %sub3A_653 = arith.subi %div3A_632, %sub3A_652 : i32
      %select_n3A_654 = arith.select %and3A_651, %sub3A_653, %div3A_632 : i32
      %mul3A_655 = arith.constant 128 : i32
      %mul3A_656 = arith.muli %select_n3A_654, %mul3A_655 : i32
      %multiple_of3A_657 = tpu.assume_multiple %mul3A_656, 128 : i32
      %dma_start3A_658 = arith.constant 15 : i32
      %dma_start3A_659 = arith.constant 0 : i32
      %dma_start3A_660 = arith.constant 0 : i32
      %dma_start3A_661 = tpu.memref_slice %arg6[%dma_start3A_658, %dma_start3A_659, %dma_start3A_660] : memref<16x32x128xf32, #tpu.memory_space<vmem>> -> memref<1x32x128xf32, #tpu.memory_space<vmem>>
      %dma_start3A_662 = tpu.memref_squeeze %dma_start3A_661 : memref<1x32x128xf32, #tpu.memory_space<vmem>> -> memref<32x128xf32, #tpu.memory_space<vmem>>
      %dma_start3A_663 = arith.constant 0 : i32
      %dma_start3A_664 = tpu.memref_slice %arg3[%dma_start3A_663, %multiple_of3A_657] : memref<32x1000000xf32, #tpu.memory_space<hbm>> -> memref<32x128xf32, #tpu.memory_space<hbm>>
      %dma_start3A_665 = arith.constant 0 : i32
      %dma_start3A_666 = arith.constant 0 : i32
      %dma_start3A_667 = tpu.memref_slice %arg6[%dma_start3A_658, %dma_start3A_665, %dma_start3A_666] : memref<16x32x128xf32, #tpu.memory_space<vmem>> -> memref<1x32x128xf32, #tpu.memory_space<vmem>>
      %dma_start3A_668 = tpu.memref_squeeze %dma_start3A_667 : memref<1x32x128xf32, #tpu.memory_space<vmem>> -> memref<32x128xf32, #tpu.memory_space<vmem>>
      %dma_start3A_669 = arith.constant 0 : i32
      %dma_start3A_670 = tpu.memref_slice %arg3[%dma_start3A_669, %multiple_of3A_657] : memref<32x1000000xf32, #tpu.memory_space<hbm>> -> memref<32x128xf32, #tpu.memory_space<hbm>>
      tpu.enqueue_dma source(%dma_start3A_670 : memref<32x128xf32, #tpu.memory_space<hbm>>) target(%dma_start3A_668 : memref<32x128xf32, #tpu.memory_space<vmem>>) target_semaphore(%arg8 : memref<!tpu.dma_semaphore, #tpu.memory_space<semaphore_mem>>)
      %scan3A_671 = arith.constant 0 : i32
      %scan3A_672 = arith.constant 16 : i32
      %scan3A_673 = arith.addi %scan3A_671, %scan3A_672 : i32
      %scan3A_674 = arith.constant 8 : i32
      scf.for %scan3A_695 = %scan3A_671 to %scan3A_673 step %scan3A_674  : i32 {
        %dma_wait3A = arith.constant 0 : i32
        %dma_wait3A_696 = arith.constant 0 : i32
        %dma_wait3A_697 = tpu.memref_slice %arg6[%scan3A_695, %dma_wait3A, %dma_wait3A_696] : memref<16x32x128xf32, #tpu.memory_space<vmem>> -> memref<1x32x128xf32, #tpu.memory_space<vmem>>
        %dma_wait3A_698 = tpu.memref_squeeze %dma_wait3A_697 : memref<1x32x128xf32, #tpu.memory_space<vmem>> -> memref<32x128xf32, #tpu.memory_space<vmem>>
        %dma_wait3A_699 = arith.constant 0 : i32
        %dma_wait3A_700 = arith.constant 0 : i32
        %dma_wait3A_701 = tpu.memref_slice %arg3[%dma_wait3A_699, %dma_wait3A_700] : memref<32x1000000xf32, #tpu.memory_space<hbm>> -> memref<32x128xf32, #tpu.memory_space<hbm>>
        %dma_wait3A_702 = arith.constant 0 : i32
        %dma_wait3A_703 = arith.constant 0 : i32
        %dma_wait3A_704 = tpu.memref_slice %arg6[%scan3A_695, %dma_wait3A_702, %dma_wait3A_703] : memref<16x32x128xf32, #tpu.memory_space<vmem>> -> memref<1x32x128xf32, #tpu.memory_space<vmem>>
        %dma_wait3A_705 = tpu.memref_squeeze %dma_wait3A_704 : memref<1x32x128xf32, #tpu.memory_space<vmem>> -> memref<32x128xf32, #tpu.memory_space<vmem>>
        %dma_wait3A_706 = arith.constant 0 : i32
        %dma_wait3A_707 = arith.constant 0 : i32
        %dma_wait3A_708 = tpu.memref_slice %arg3[%dma_wait3A_706, %dma_wait3A_707] : memref<32x1000000xf32, #tpu.memory_space<hbm>> -> memref<32x128xf32, #tpu.memory_space<hbm>>
        tpu.wait_dma2 semaphore(%arg8 : memref<!tpu.dma_semaphore, #tpu.memory_space<semaphore_mem>>) src(%dma_wait3A_708 : memref<32x128xf32, #tpu.memory_space<hbm>>) dst(%dma_wait3A_705 : memref<32x128xf32, #tpu.memory_space<vmem>>)
        %scan3A_709 = arith.constant 1 : i32
        %scan3A_710 = arith.addi %scan3A_695, %scan3A_709 : i32
        %dma_wait3A_711 = arith.constant 0 : i32
        %dma_wait3A_712 = arith.constant 0 : i32
        %dma_wait3A_713 = tpu.memref_slice %arg6[%scan3A_710, %dma_wait3A_711, %dma_wait3A_712] : memref<16x32x128xf32, #tpu.memory_space<vmem>> -> memref<1x32x128xf32, #tpu.memory_space<vmem>>
        %dma_wait3A_714 = tpu.memref_squeeze %dma_wait3A_713 : memref<1x32x128xf32, #tpu.memory_space<vmem>> -> memref<32x128xf32, #tpu.memory_space<vmem>>
        %dma_wait3A_715 = arith.constant 0 : i32
        %dma_wait3A_716 = arith.constant 0 : i32
        %dma_wait3A_717 = tpu.memref_slice %arg3[%dma_wait3A_715, %dma_wait3A_716] : memref<32x1000000xf32, #tpu.memory_space<hbm>> -> memref<32x128xf32, #tpu.memory_space<hbm>>
        %dma_wait3A_718 = arith.constant 0 : i32
        %dma_wait3A_719 = arith.constant 0 : i32
        %dma_wait3A_720 = tpu.memref_slice %arg6[%scan3A_710, %dma_wait3A_718, %dma_wait3A_719] : memref<16x32x128xf32, #tpu.memory_space<vmem>> -> memref<1x32x128xf32, #tpu.memory_space<vmem>>
        %dma_wait3A_721 = tpu.memref_squeeze %dma_wait3A_720 : memref<1x32x128xf32, #tpu.memory_space<vmem>> -> memref<32x128xf32, #tpu.memory_space<vmem>>
        %dma_wait3A_722 = arith.constant 0 : i32
        %dma_wait3A_723 = arith.constant 0 : i32
        %dma_wait3A_724 = tpu.memref_slice %arg3[%dma_wait3A_722, %dma_wait3A_723] : memref<32x1000000xf32, #tpu.memory_space<hbm>> -> memref<32x128xf32, #tpu.memory_space<hbm>>
        tpu.wait_dma2 semaphore(%arg8 : memref<!tpu.dma_semaphore, #tpu.memory_space<semaphore_mem>>) src(%dma_wait3A_724 : memref<32x128xf32, #tpu.memory_space<hbm>>) dst(%dma_wait3A_721 : memref<32x128xf32, #tpu.memory_space<vmem>>)
        %scan3A_725 = arith.constant 2 : i32
        %scan3A_726 = arith.addi %scan3A_695, %scan3A_725 : i32
        %dma_wait3A_727 = arith.constant 0 : i32
        %dma_wait3A_728 = arith.constant 0 : i32
        %dma_wait3A_729 = tpu.memref_slice %arg6[%scan3A_726, %dma_wait3A_727, %dma_wait3A_728] : memref<16x32x128xf32, #tpu.memory_space<vmem>> -> memref<1x32x128xf32, #tpu.memory_space<vmem>>
        %dma_wait3A_730 = tpu.memref_squeeze %dma_wait3A_729 : memref<1x32x128xf32, #tpu.memory_space<vmem>> -> memref<32x128xf32, #tpu.memory_space<vmem>>
        %dma_wait3A_731 = arith.constant 0 : i32
        %dma_wait3A_732 = arith.constant 0 : i32
        %dma_wait3A_733 = tpu.memref_slice %arg3[%dma_wait3A_731, %dma_wait3A_732] : memref<32x1000000xf32, #tpu.memory_space<hbm>> -> memref<32x128xf32, #tpu.memory_space<hbm>>
        %dma_wait3A_734 = arith.constant 0 : i32
        %dma_wait3A_735 = arith.constant 0 : i32
        %dma_wait3A_736 = tpu.memref_slice %arg6[%scan3A_726, %dma_wait3A_734, %dma_wait3A_735] : memref<16x32x128xf32, #tpu.memory_space<vmem>> -> memref<1x32x128xf32, #tpu.memory_space<vmem>>
        %dma_wait3A_737 = tpu.memref_squeeze %dma_wait3A_736 : memref<1x32x128xf32, #tpu.memory_space<vmem>> -> memref<32x128xf32, #tpu.memory_space<vmem>>
        %dma_wait3A_738 = arith.constant 0 : i32
        %dma_wait3A_739 = arith.constant 0 : i32
        %dma_wait3A_740 = tpu.memref_slice %arg3[%dma_wait3A_738, %dma_wait3A_739] : memref<32x1000000xf32, #tpu.memory_space<hbm>> -> memref<32x128xf32, #tpu.memory_space<hbm>>
        tpu.wait_dma2 semaphore(%arg8 : memref<!tpu.dma_semaphore, #tpu.memory_space<semaphore_mem>>) src(%dma_wait3A_740 : memref<32x128xf32, #tpu.memory_space<hbm>>) dst(%dma_wait3A_737 : memref<32x128xf32, #tpu.memory_space<vmem>>)
        %scan3A_741 = arith.constant 3 : i32
        %scan3A_742 = arith.addi %scan3A_695, %scan3A_741 : i32
        %dma_wait3A_743 = arith.constant 0 : i32
        %dma_wait3A_744 = arith.constant 0 : i32
        %dma_wait3A_745 = tpu.memref_slice %arg6[%scan3A_742, %dma_wait3A_743, %dma_wait3A_744] : memref<16x32x128xf32, #tpu.memory_space<vmem>> -> memref<1x32x128xf32, #tpu.memory_space<vmem>>
        %dma_wait3A_746 = tpu.memref_squeeze %dma_wait3A_745 : memref<1x32x128xf32, #tpu.memory_space<vmem>> -> memref<32x128xf32, #tpu.memory_space<vmem>>
        %dma_wait3A_747 = arith.constant 0 : i32
        %dma_wait3A_748 = arith.constant 0 : i32
        %dma_wait3A_749 = tpu.memref_slice %arg3[%dma_wait3A_747, %dma_wait3A_748] : memref<32x1000000xf32, #tpu.memory_space<hbm>> -> memref<32x128xf32, #tpu.memory_space<hbm>>
        %dma_wait3A_750 = arith.constant 0 : i32
        %dma_wait3A_751 = arith.constant 0 : i32
        %dma_wait3A_752 = tpu.memref_slice %arg6[%scan3A_742, %dma_wait3A_750, %dma_wait3A_751] : memref<16x32x128xf32, #tpu.memory_space<vmem>> -> memref<1x32x128xf32, #tpu.memory_space<vmem>>
        %dma_wait3A_753 = tpu.memref_squeeze %dma_wait3A_752 : memref<1x32x128xf32, #tpu.memory_space<vmem>> -> memref<32x128xf32, #tpu.memory_space<vmem>>
        %dma_wait3A_754 = arith.constant 0 : i32
        %dma_wait3A_755 = arith.constant 0 : i32
        %dma_wait3A_756 = tpu.memref_slice %arg3[%dma_wait3A_754, %dma_wait3A_755] : memref<32x1000000xf32, #tpu.memory_space<hbm>> -> memref<32x128xf32, #tpu.memory_space<hbm>>
        tpu.wait_dma2 semaphore(%arg8 : memref<!tpu.dma_semaphore, #tpu.memory_space<semaphore_mem>>) src(%dma_wait3A_756 : memref<32x128xf32, #tpu.memory_space<hbm>>) dst(%dma_wait3A_753 : memref<32x128xf32, #tpu.memory_space<vmem>>)
        %scan3A_757 = arith.constant 4 : i32
        %scan3A_758 = arith.addi %scan3A_695, %scan3A_757 : i32
        %dma_wait3A_759 = arith.constant 0 : i32
        %dma_wait3A_760 = arith.constant 0 : i32
        %dma_wait3A_761 = tpu.memref_slice %arg6[%scan3A_758, %dma_wait3A_759, %dma_wait3A_760] : memref<16x32x128xf32, #tpu.memory_space<vmem>> -> memref<1x32x128xf32, #tpu.memory_space<vmem>>
        %dma_wait3A_762 = tpu.memref_squeeze %dma_wait3A_761 : memref<1x32x128xf32, #tpu.memory_space<vmem>> -> memref<32x128xf32, #tpu.memory_space<vmem>>
        %dma_wait3A_763 = arith.constant 0 : i32
        %dma_wait3A_764 = arith.constant 0 : i32
        %dma_wait3A_765 = tpu.memref_slice %arg3[%dma_wait3A_763, %dma_wait3A_764] : memref<32x1000000xf32, #tpu.memory_space<hbm>> -> memref<32x128xf32, #tpu.memory_space<hbm>>
        %dma_wait3A_766 = arith.constant 0 : i32
        %dma_wait3A_767 = arith.constant 0 : i32
        %dma_wait3A_768 = tpu.memref_slice %arg6[%scan3A_758, %dma_wait3A_766, %dma_wait3A_767] : memref<16x32x128xf32, #tpu.memory_space<vmem>> -> memref<1x32x128xf32, #tpu.memory_space<vmem>>
        %dma_wait3A_769 = tpu.memref_squeeze %dma_wait3A_768 : memref<1x32x128xf32, #tpu.memory_space<vmem>> -> memref<32x128xf32, #tpu.memory_space<vmem>>
        %dma_wait3A_770 = arith.constant 0 : i32
        %dma_wait3A_771 = arith.constant 0 : i32
        %dma_wait3A_772 = tpu.memref_slice %arg3[%dma_wait3A_770, %dma_wait3A_771] : memref<32x1000000xf32, #tpu.memory_space<hbm>> -> memref<32x128xf32, #tpu.memory_space<hbm>>
        tpu.wait_dma2 semaphore(%arg8 : memref<!tpu.dma_semaphore, #tpu.memory_space<semaphore_mem>>) src(%dma_wait3A_772 : memref<32x128xf32, #tpu.memory_space<hbm>>) dst(%dma_wait3A_769 : memref<32x128xf32, #tpu.memory_space<vmem>>)
        %scan3A_773 = arith.constant 5 : i32
        %scan3A_774 = arith.addi %scan3A_695, %scan3A_773 : i32
        %dma_wait3A_775 = arith.constant 0 : i32
        %dma_wait3A_776 = arith.constant 0 : i32
        %dma_wait3A_777 = tpu.memref_slice %arg6[%scan3A_774, %dma_wait3A_775, %dma_wait3A_776] : memref<16x32x128xf32, #tpu.memory_space<vmem>> -> memref<1x32x128xf32, #tpu.memory_space<vmem>>
        %dma_wait3A_778 = tpu.memref_squeeze %dma_wait3A_777 : memref<1x32x128xf32, #tpu.memory_space<vmem>> -> memref<32x128xf32, #tpu.memory_space<vmem>>
        %dma_wait3A_779 = arith.constant 0 : i32
        %dma_wait3A_780 = arith.constant 0 : i32
        %dma_wait3A_781 = tpu.memref_slice %arg3[%dma_wait3A_779, %dma_wait3A_780] : memref<32x1000000xf32, #tpu.memory_space<hbm>> -> memref<32x128xf32, #tpu.memory_space<hbm>>
        %dma_wait3A_782 = arith.constant 0 : i32
        %dma_wait3A_783 = arith.constant 0 : i32
        %dma_wait3A_784 = tpu.memref_slice %arg6[%scan3A_774, %dma_wait3A_782, %dma_wait3A_783] : memref<16x32x128xf32, #tpu.memory_space<vmem>> -> memref<1x32x128xf32, #tpu.memory_space<vmem>>
        %dma_wait3A_785 = tpu.memref_squeeze %dma_wait3A_784 : memref<1x32x128xf32, #tpu.memory_space<vmem>> -> memref<32x128xf32, #tpu.memory_space<vmem>>
        %dma_wait3A_786 = arith.constant 0 : i32
        %dma_wait3A_787 = arith.constant 0 : i32
        %dma_wait3A_788 = tpu.memref_slice %arg3[%dma_wait3A_786, %dma_wait3A_787] : memref<32x1000000xf32, #tpu.memory_space<hbm>> -> memref<32x128xf32, #tpu.memory_space<hbm>>
        tpu.wait_dma2 semaphore(%arg8 : memref<!tpu.dma_semaphore, #tpu.memory_space<semaphore_mem>>) src(%dma_wait3A_788 : memref<32x128xf32, #tpu.memory_space<hbm>>) dst(%dma_wait3A_785 : memref<32x128xf32, #tpu.memory_space<vmem>>)
        %scan3A_789 = arith.constant 6 : i32
        %scan3A_790 = arith.addi %scan3A_695, %scan3A_789 : i32
        %dma_wait3A_791 = arith.constant 0 : i32
        %dma_wait3A_792 = arith.constant 0 : i32
        %dma_wait3A_793 = tpu.memref_slice %arg6[%scan3A_790, %dma_wait3A_791, %dma_wait3A_792] : memref<16x32x128xf32, #tpu.memory_space<vmem>> -> memref<1x32x128xf32, #tpu.memory_space<vmem>>
        %dma_wait3A_794 = tpu.memref_squeeze %dma_wait3A_793 : memref<1x32x128xf32, #tpu.memory_space<vmem>> -> memref<32x128xf32, #tpu.memory_space<vmem>>
        %dma_wait3A_795 = arith.constant 0 : i32
        %dma_wait3A_796 = arith.constant 0 : i32
        %dma_wait3A_797 = tpu.memref_slice %arg3[%dma_wait3A_795, %dma_wait3A_796] : memref<32x1000000xf32, #tpu.memory_space<hbm>> -> memref<32x128xf32, #tpu.memory_space<hbm>>
        %dma_wait3A_798 = arith.constant 0 : i32
        %dma_wait3A_799 = arith.constant 0 : i32
        %dma_wait3A_800 = tpu.memref_slice %arg6[%scan3A_790, %dma_wait3A_798, %dma_wait3A_799] : memref<16x32x128xf32, #tpu.memory_space<vmem>> -> memref<1x32x128xf32, #tpu.memory_space<vmem>>
        %dma_wait3A_801 = tpu.memref_squeeze %dma_wait3A_800 : memref<1x32x128xf32, #tpu.memory_space<vmem>> -> memref<32x128xf32, #tpu.memory_space<vmem>>
        %dma_wait3A_802 = arith.constant 0 : i32
        %dma_wait3A_803 = arith.constant 0 : i32
        %dma_wait3A_804 = tpu.memref_slice %arg3[%dma_wait3A_802, %dma_wait3A_803] : memref<32x1000000xf32, #tpu.memory_space<hbm>> -> memref<32x128xf32, #tpu.memory_space<hbm>>
        tpu.wait_dma2 semaphore(%arg8 : memref<!tpu.dma_semaphore, #tpu.memory_space<semaphore_mem>>) src(%dma_wait3A_804 : memref<32x128xf32, #tpu.memory_space<hbm>>) dst(%dma_wait3A_801 : memref<32x128xf32, #tpu.memory_space<vmem>>)
        %scan3A_805 = arith.constant 7 : i32
        %scan3A_806 = arith.addi %scan3A_695, %scan3A_805 : i32
        %dma_wait3A_807 = arith.constant 0 : i32
        %dma_wait3A_808 = arith.constant 0 : i32
        %dma_wait3A_809 = tpu.memref_slice %arg6[%scan3A_806, %dma_wait3A_807, %dma_wait3A_808] : memref<16x32x128xf32, #tpu.memory_space<vmem>> -> memref<1x32x128xf32, #tpu.memory_space<vmem>>
        %dma_wait3A_810 = tpu.memref_squeeze %dma_wait3A_809 : memref<1x32x128xf32, #tpu.memory_space<vmem>> -> memref<32x128xf32, #tpu.memory_space<vmem>>
        %dma_wait3A_811 = arith.constant 0 : i32
        %dma_wait3A_812 = arith.constant 0 : i32
        %dma_wait3A_813 = tpu.memref_slice %arg3[%dma_wait3A_811, %dma_wait3A_812] : memref<32x1000000xf32, #tpu.memory_space<hbm>> -> memref<32x128xf32, #tpu.memory_space<hbm>>
        %dma_wait3A_814 = arith.constant 0 : i32
        %dma_wait3A_815 = arith.constant 0 : i32
        %dma_wait3A_816 = tpu.memref_slice %arg6[%scan3A_806, %dma_wait3A_814, %dma_wait3A_815] : memref<16x32x128xf32, #tpu.memory_space<vmem>> -> memref<1x32x128xf32, #tpu.memory_space<vmem>>
        %dma_wait3A_817 = tpu.memref_squeeze %dma_wait3A_816 : memref<1x32x128xf32, #tpu.memory_space<vmem>> -> memref<32x128xf32, #tpu.memory_space<vmem>>
        %dma_wait3A_818 = arith.constant 0 : i32
        %dma_wait3A_819 = arith.constant 0 : i32
        %dma_wait3A_820 = tpu.memref_slice %arg3[%dma_wait3A_818, %dma_wait3A_819] : memref<32x1000000xf32, #tpu.memory_space<hbm>> -> memref<32x128xf32, #tpu.memory_space<hbm>>
        tpu.wait_dma2 semaphore(%arg8 : memref<!tpu.dma_semaphore, #tpu.memory_space<semaphore_mem>>) src(%dma_wait3A_820 : memref<32x128xf32, #tpu.memory_space<hbm>>) dst(%dma_wait3A_817 : memref<32x128xf32, #tpu.memory_space<vmem>>)
      }
      %scan3A_675 = arith.constant 16 : i32
      %scan3A_676 = arith.constant 0 : i32
      %mul3A_677 = arith.constant 16 : i32
      %mul3A_678 = arith.muli %scan3A_676, %mul3A_677 : i32
      %add3A_679 = arith.addi %mul3A_9, %mul3A_678 : i32
      %get3A_680 = arith.index_cast %add3A_679 : i32 to index
      %get3A_681 = tpu.vector_load %arg5[%get3A_680] {strides = array<i32>} : memref<512xi32, #tpu.memory_space<vmem>>, vector<16xi32>,
      %rem3A_682 = arith.constant 128 : i32
      %rem3A_683 = vector.broadcast %rem3A_682 : i32 to vector<16xi32>
      %rem3A_684 = arith.remsi %get3A_681, %rem3A_683 : vector<16xi32>
      %iota3A = tpu.iota {dimensions = array<i32: 0>} : vector<16xi32>
      %mul3A_685 = arith.constant 16 : i32
      %mul3A_686 = arith.muli %scan3A_676, %mul3A_685 : i32
      %add3A_687 = vector.broadcast %mul3A_686 : i32 to vector<16xi32>
      %add3A_688 = arith.addi %iota3A, %add3A_687 : vector<16xi32>
      %scan3A_689 = arith.constant 0 : i32
      %scan3A_690 = arith.constant 32 : i32
      %scan3A_691 = arith.addi %scan3A_689, %scan3A_690 : i32
      %scan3A_692 = arith.constant 8 : i32
      scf.for %scan3A_695 = %scan3A_689 to %scan3A_691 step %scan3A_692  : i32 {
        %broadcast_in_dim3A = vector.broadcast %scan3A_695 : i32 to vector<16xi32>
        %gather3A = tpu.vector_load_idx %arg6[%add3A_688, %broadcast_in_dim3A, %rem3A_684] : memref<16x32x128xf32, #tpu.memory_space<vmem>>[vector<16xi32>, vector<16xi32>, vector<16xi32>], vector<16xf32>,
        %mul3A_696 = arith.constant 16 : i32
        %mul3A_697 = arith.muli %scan3A_676, %mul3A_696 : i32
        %add3A_698 = arith.addi %mul3A_9, %mul3A_697 : i32
        %swap3A = arith.index_cast %scan3A_695 : i32 to index
        %swap3A_699 = arith.index_cast %add3A_698 : i32 to index
        %swap3A_700 = tpu.vector_load %arg7[%swap3A, %swap3A_699] {strides = array<i32>} : memref<32x512xf32, #tpu.memory_space<vmem>>, vector<16xf32>,
        tpu.vector_store %arg7[%swap3A, %swap3A_699], %gather3A {strides = array<i32>} : memref<32x512xf32, #tpu.memory_space<vmem>>, vector<16xf32>,
        %scan3A_701 = arith.constant 1 : i32
        %scan3A_702 = arith.addi %scan3A_695, %scan3A_701 : i32
        %broadcast_in_dim3A_703 = vector.broadcast %scan3A_702 : i32 to vector<16xi32>
        %gather3A_704 = tpu.vector_load_idx %arg6[%add3A_688, %broadcast_in_dim3A_703, %rem3A_684] : memref<16x32x128xf32, #tpu.memory_space<vmem>>[vector<16xi32>, vector<16xi32>, vector<16xi32>], vector<16xf32>,
        %mul3A_705 = arith.constant 16 : i32
        %mul3A_706 = arith.muli %scan3A_676, %mul3A_705 : i32
        %add3A_707 = arith.addi %mul3A_9, %mul3A_706 : i32
        %swap3A_708 = arith.index_cast %scan3A_702 : i32 to index
        %swap3A_709 = arith.index_cast %add3A_707 : i32 to index
        %swap3A_710 = tpu.vector_load %arg7[%swap3A_708, %swap3A_709] {strides = array<i32>} : memref<32x512xf32, #tpu.memory_space<vmem>>, vector<16xf32>,
        tpu.vector_store %arg7[%swap3A_708, %swap3A_709], %gather3A_704 {strides = array<i32>} : memref<32x512xf32, #tpu.memory_space<vmem>>, vector<16xf32>,
        %scan3A_711 = arith.constant 2 : i32
        %scan3A_712 = arith.addi %scan3A_695, %scan3A_711 : i32
        %broadcast_in_dim3A_713 = vector.broadcast %scan3A_712 : i32 to vector<16xi32>
        %gather3A_714 = tpu.vector_load_idx %arg6[%add3A_688, %broadcast_in_dim3A_713, %rem3A_684] : memref<16x32x128xf32, #tpu.memory_space<vmem>>[vector<16xi32>, vector<16xi32>, vector<16xi32>], vector<16xf32>,
        %mul3A_715 = arith.constant 16 : i32
        %mul3A_716 = arith.muli %scan3A_676, %mul3A_715 : i32
        %add3A_717 = arith.addi %mul3A_9, %mul3A_716 : i32
        %swap3A_718 = arith.index_cast %scan3A_712 : i32 to index
        %swap3A_719 = arith.index_cast %add3A_717 : i32 to index
        %swap3A_720 = tpu.vector_load %arg7[%swap3A_718, %swap3A_719] {strides = array<i32>} : memref<32x512xf32, #tpu.memory_space<vmem>>, vector<16xf32>,
        tpu.vector_store %arg7[%swap3A_718, %swap3A_719], %gather3A_714 {strides = array<i32>} : memref<32x512xf32, #tpu.memory_space<vmem>>, vector<16xf32>,
        %scan3A_721 = arith.constant 3 : i32
        %scan3A_722 = arith.addi %scan3A_695, %scan3A_721 : i32
        %broadcast_in_dim3A_723 = vector.broadcast %scan3A_722 : i32 to vector<16xi32>
        %gather3A_724 = tpu.vector_load_idx %arg6[%add3A_688, %broadcast_in_dim3A_723, %rem3A_684] : memref<16x32x128xf32, #tpu.memory_space<vmem>>[vector<16xi32>, vector<16xi32>, vector<16xi32>], vector<16xf32>,
        %mul3A_725 = arith.constant 16 : i32
        %mul3A_726 = arith.muli %scan3A_676, %mul3A_725 : i32
        %add3A_727 = arith.addi %mul3A_9, %mul3A_726 : i32
        %swap3A_728 = arith.index_cast %scan3A_722 : i32 to index
        %swap3A_729 = arith.index_cast %add3A_727 : i32 to index
        %swap3A_730 = tpu.vector_load %arg7[%swap3A_728, %swap3A_729] {strides = array<i32>} : memref<32x512xf32, #tpu.memory_space<vmem>>, vector<16xf32>,
        tpu.vector_store %arg7[%swap3A_728, %swap3A_729], %gather3A_724 {strides = array<i32>} : memref<32x512xf32, #tpu.memory_space<vmem>>, vector<16xf32>,
        %scan3A_731 = arith.constant 4 : i32
        %scan3A_732 = arith.addi %scan3A_695, %scan3A_731 : i32
        %broadcast_in_dim3A_733 = vector.broadcast %scan3A_732 : i32 to vector<16xi32>
        %gather3A_734 = tpu.vector_load_idx %arg6[%add3A_688, %broadcast_in_dim3A_733, %rem3A_684] : memref<16x32x128xf32, #tpu.memory_space<vmem>>[vector<16xi32>, vector<16xi32>, vector<16xi32>], vector<16xf32>,
        %mul3A_735 = arith.constant 16 : i32
        %mul3A_736 = arith.muli %scan3A_676, %mul3A_735 : i32
        %add3A_737 = arith.addi %mul3A_9, %mul3A_736 : i32
        %swap3A_738 = arith.index_cast %scan3A_732 : i32 to index
        %swap3A_739 = arith.index_cast %add3A_737 : i32 to index
        %swap3A_740 = tpu.vector_load %arg7[%swap3A_738, %swap3A_739] {strides = array<i32>} : memref<32x512xf32, #tpu.memory_space<vmem>>, vector<16xf32>,
        tpu.vector_store %arg7[%swap3A_738, %swap3A_739], %gather3A_734 {strides = array<i32>} : memref<32x512xf32, #tpu.memory_space<vmem>>, vector<16xf32>,
        %scan3A_741 = arith.constant 5 : i32
        %scan3A_742 = arith.addi %scan3A_695, %scan3A_741 : i32
        %broadcast_in_dim3A_743 = vector.broadcast %scan3A_742 : i32 to vector<16xi32>
        %gather3A_744 = tpu.vector_load_idx %arg6[%add3A_688, %broadcast_in_dim3A_743, %rem3A_684] : memref<16x32x128xf32, #tpu.memory_space<vmem>>[vector<16xi32>, vector<16xi32>, vector<16xi32>], vector<16xf32>,
        %mul3A_745 = arith.constant 16 : i32
        %mul3A_746 = arith.muli %scan3A_676, %mul3A_745 : i32
        %add3A_747 = arith.addi %mul3A_9, %mul3A_746 : i32
        %swap3A_748 = arith.index_cast %scan3A_742 : i32 to index
        %swap3A_749 = arith.index_cast %add3A_747 : i32 to index
        %swap3A_750 = tpu.vector_load %arg7[%swap3A_748, %swap3A_749] {strides = array<i32>} : memref<32x512xf32, #tpu.memory_space<vmem>>, vector<16xf32>,
        tpu.vector_store %arg7[%swap3A_748, %swap3A_749], %gather3A_744 {strides = array<i32>} : memref<32x512xf32, #tpu.memory_space<vmem>>, vector<16xf32>,
        %scan3A_751 = arith.constant 6 : i32
        %scan3A_752 = arith.addi %scan3A_695, %scan3A_751 : i32
        %broadcast_in_dim3A_753 = vector.broadcast %scan3A_752 : i32 to vector<16xi32>
        %gather3A_754 = tpu.vector_load_idx %arg6[%add3A_688, %broadcast_in_dim3A_753, %rem3A_684] : memref<16x32x128xf32, #tpu.memory_space<vmem>>[vector<16xi32>, vector<16xi32>, vector<16xi32>], vector<16xf32>,
        %mul3A_755 = arith.constant 16 : i32
        %mul3A_756 = arith.muli %scan3A_676, %mul3A_755 : i32
        %add3A_757 = arith.addi %mul3A_9, %mul3A_756 : i32
        %swap3A_758 = arith.index_cast %scan3A_752 : i32 to index
        %swap3A_759 = arith.index_cast %add3A_757 : i32 to index
        %swap3A_760 = tpu.vector_load %arg7[%swap3A_758, %swap3A_759] {strides = array<i32>} : memref<32x512xf32, #tpu.memory_space<vmem>>, vector<16xf32>,
        tpu.vector_store %arg7[%swap3A_758, %swap3A_759], %gather3A_754 {strides = array<i32>} : memref<32x512xf32, #tpu.memory_space<vmem>>, vector<16xf32>,
        %scan3A_761 = arith.constant 7 : i32
        %scan3A_762 = arith.addi %scan3A_695, %scan3A_761 : i32
        %broadcast_in_dim3A_763 = vector.broadcast %scan3A_762 : i32 to vector<16xi32>
        %gather3A_764 = tpu.vector_load_idx %arg6[%add3A_688, %broadcast_in_dim3A_763, %rem3A_684] : memref<16x32x128xf32, #tpu.memory_space<vmem>>[vector<16xi32>, vector<16xi32>, vector<16xi32>], vector<16xf32>,
        %mul3A_765 = arith.constant 16 : i32
        %mul3A_766 = arith.muli %scan3A_676, %mul3A_765 : i32
        %add3A_767 = arith.addi %mul3A_9, %mul3A_766 : i32
        %swap3A_768 = arith.index_cast %scan3A_762 : i32 to index
        %swap3A_769 = arith.index_cast %add3A_767 : i32 to index
        %swap3A_770 = tpu.vector_load %arg7[%swap3A_768, %swap3A_769] {strides = array<i32>} : memref<32x512xf32, #tpu.memory_space<vmem>>, vector<16xf32>,
        tpu.vector_store %arg7[%swap3A_768, %swap3A_769], %gather3A_764 {strides = array<i32>} : memref<32x512xf32, #tpu.memory_space<vmem>>, vector<16xf32>,
      }
      %scan3A_693 = arith.constant 32 : i32
      %scan3A_694 = arith.constant 1 : i32
    }
    %scan3A_6 = arith.constant 32 : i32
    "tpu.region"() ({
      %run_scoped3A = tpu.sem_alloc : memref<!tpu.dma_semaphore, #tpu.memory_space<semaphore_mem>>
      %dma_start3A = arith.constant 0 : i32
      %dma_start3A_7 = tpu.memref_slice %arg4[%dma_start3A, %mul3A_2] : memref<32x16384xf32, #tpu.memory_space<hbm>> -> memref<32x512xf32, #tpu.memory_space<hbm>>
      %dma_start3A_8 = arith.constant 0 : i32
      %dma_start3A_9 = tpu.memref_slice %arg4[%dma_start3A_8, %mul3A_2] : memref<32x16384xf32, #tpu.memory_space<hbm>> -> memref<32x512xf32, #tpu.memory_space<hbm>>
      tpu.enqueue_dma source(%arg7 : memref<32x512xf32, #tpu.memory_space<vmem>>) target(%dma_start3A_9 : memref<32x512xf32, #tpu.memory_space<hbm>>) target_semaphore(%run_scoped3A : memref<!tpu.dma_semaphore, #tpu.memory_space<semaphore_mem>>)
      %dma_wait3A = arith.constant 0 : i32
      %dma_wait3A_10 = tpu.memref_slice %arg4[%dma_wait3A, %mul3A_2] : memref<32x16384xf32, #tpu.memory_space<hbm>> -> memref<32x512xf32, #tpu.memory_space<hbm>>
      %dma_wait3A_11 = arith.constant 0 : i32
      %dma_wait3A_12 = tpu.memref_slice %arg4[%dma_wait3A_11, %mul3A_2] : memref<32x16384xf32, #tpu.memory_space<hbm>> -> memref<32x512xf32, #tpu.memory_space<hbm>>
      tpu.wait_dma2 semaphore(%run_scoped3A : memref<!tpu.dma_semaphore, #tpu.memory_space<semaphore_mem>>) src(%arg7 : memref<32x512xf32, #tpu.memory_space<vmem>>) dst(%dma_wait3A_12 : memref<32x512xf32, #tpu.memory_space<hbm>>)
      tpu.yield
    }) : () -> ()
    return
  }
}

</mosaic_0001>

<sc_bundles>
// kernel: kernel.3.cloned.1.call-start
scs
__scs_entry_jumppad:
0x0: {  	(pc) =	sbr.rel $0x88, $3  }
0x1: {  	(tag) =	ssettag $0x0;
	lr =	simm.s32 $0x1  }
0x2: {  	[smem:$0x3F9F] =	sst lr;
	_ =	strace $0xD0000000  }
0x3: {  	_ = 	snop  }
0x4: {  	_ = 	snop  }
0x5: {  	_ = 	snop  }
0x6: {  	_ = 	snop  }
0x7: {  	_ = 	snop  }
__scs_overlays_trampoline_lowered:
0x8: {  	[smem:$0x3FAE] =	sst s0  }
0x9: {  	[smem:$0x3FAF] =	sst s1  }
0xa: {  	[smem:$0x3FB0] =	sst s2  }
0xb: {  	[smem:$0x3FB1] =	sst s3  }
0xc: {  	[smem:$0x3FB2] =	sst s4  }
0xd: {  	[smem:$0x3FB3] =	sst s5  }
0xe: {  	[smem:$0x3FB4] =	sst s6  }
0xf: {  	[smem:$0x3FB5] =	sst s7  }
0x10: {  	[smem:$0x3FB6] =	sst s8  }
0x11: {  	[smem:$0x3FB7] =	sst s9;
	s0 =	simm.s32 @!p0 $0x0  }
0x12: {  	s1 =	sld [smem:$0x3F9D];
	s0 =	simm.s32 @p0 $0x1  }
0x13: {  	[smem:$0x3FB8] =	sst s0;
	s0 =	simm.s32 @!p1 $0x0  }
0x14: {  	s2 =	sld [smem:$0x3F9C];
	s0 =	simm.s32 @p1 $0x1  }
0x15: {  	[smem:$0x3FB9] =	sst s0;
	s0 =	simm.s32 @!p2 $0x0  }
0x16: {  	s3 =	sld [smem:$0x3FDB];
	s0 =	simm.s32 @p2 $0x1  }
0x17: {  	s4 =	simm.s32 $0x1BF5;
	[smem:$0x3FBB] =	sst s0  }
0x18: {  	s0 =	sld [smem:$0x3F9E];
	_ =	swait.ge [sflag:s4], $0x0  }
0x19: {  	s7 =	sld [smem:$0x3F9F]  }
0x1a: {  	s8 =	sadd.s32 $0xFFFFE003, lr  }
0x1b: {  	s9 =	sadd.s32 $0xFFFFFEF7, lr;
	s5 =	simm.s32 $0xFFFFFFFF;
	p2 =	slt.u32 s8, $0xFFFFF086  }
0x1c: {  	p1 =	slt.u32 s9, $0xF7A;
	s5 =	simm.s32 @!p2 $0x0  }
0x1d: {  	s5 =	simm.s32 @p1 $0x1;
	p0 =	seq.s32 s7, s2  }
0x1e: {  	s7 =	smul.u32 @!p0 $0xF7A, s2;
	p2 =	seq.s32 @!p0 s5, $0x0  }
0x1f: {  	s9 =	smul.u32 $0xF7A, s1;
	s8 =	simm.s32 @!p0 $0x1BF5;
	p2 =	por !p2, p0  }
0x20: {  	[sflag:s8] =	ssyncset.s32 @!p0 $0xFFFFF086;
	s6 =	sadd.s32 @!p0 s3, s7;
	s7 =	simm.s32 @!p0 $0x108  }
0x21: {  	s3 =	sadd.s32 s3, s9;
	s6 =	sadd.s32 @!p0 $0x88, s6;
	s7 =	simm.s32 @p2 $0x1082  }
0x22: {  	[simem:s7], [sflag:s8] =	dma.local @!p0 [hbm:s6], $0xF7A  }
0x23: {  	s9 =	sor.u32 $0xD0000000, s2;
	s6 =	simm.s32 $0x108;
	_ =	swait.ge @!p0 [sflag:s8], $0x0  }
0x24: {  	s3 =	sadd.s32 $0x88, s3;
	s6 =	simm.s32 @!p1 $0x1082;
	[sflag:s4] =	ssyncset.s32 $0xFFFFF086  }
0x25: {  	[simem:s6], [sflag:s4] =	dma.local [hbm:s3], $0xF7A  }
0x26: {  	[smem:$0x3F9F] =	sst s1;
	(tag) =	ssettag s2;
	_ =	strace s9  }
0x27: {  	s1 =	sld [smem:$0x3FAF]  }
0x28: {  	s2 =	sld [smem:$0x3FB0]  }
0x29: {  	s4 =	sld [smem:$0x3FB2]  }
0x2a: {  	p0 =	seq.s32 s5, $0x0;
	s5 =	sld [smem:$0x3FB3]  }
0x2b: {  	s6 =	sld [smem:$0x3FB4]  }
0x2c: {  	s7 =	sld [smem:$0x3FB5]  }
0x2d: {  	s3 =	simm.s32 $0x108;
	s8 =	sld [smem:$0x3FB6]  }
0x2e: {  	s3 =	simm.s32 @!p0 $0x1082;
	s9 =	sld [smem:$0x3FB7]  }
0x2f: {  	lr =	sadd.s32 s0, s3;
	s0 =	sld [smem:$0x3FAE]  }
0x30: {  	s3 =	sld [smem:$0x3FB1]  }
0x31: {  	[smem:$0x3FBA] =	sst s10  }
0x32: {  	s10 =	sld [smem:$0x3FB8];
	_ =	sdelay $0x3  }
0x33: {  	p0 =	seq.s32 s10, $0x1;
	s10 =	sld [smem:$0x3FBA];
	_ =	sdelay $0x3  }
0x34: {  	[smem:$0x3FBA] =	sst s10  }
0x35: {  	s10 =	sld [smem:$0x3FB9];
	_ =	sdelay $0x3  }
0x36: {  	p1 =	seq.s32 s10, $0x1;
	s10 =	sld [smem:$0x3FBA];
	_ =	sdelay $0x3  }
0x37: {  	[smem:$0x3FBA] =	sst s10  }
0x38: {  	s10 =	sld [smem:$0x3FBB]  }
0x39: {  	_ = 	snop;
	(pc) =	sbr.ind lr, $3  }
0x3a: {  	_ = 	snop  }
0x3b: {  	_ = 	snop  }
0x3c: {  	p2 =	seq.s32 s10, $0x1;
	s10 =	sld [smem:$0x3FBA]  }
0x3d: {  	_ =	shalt  }
0x3e: {  	_ =	shalt  }
0x3f: {  	_ =	shalt  }
0x40: {  	_ =	shalt  }
0x41: {  	_ =	shalt  }
0x42: {  	_ =	shalt  }
0x43: {  	_ =	shalt  }
0x44: {  	_ =	shalt  }
0x45: {  	_ =	shalt  }
0x46: {  	_ =	shalt  }
0x47: {  	_ =	shalt  }
0x48: {  	_ =	shalt  }
0x49: {  	_ =	shalt  }
0x4a: {  	_ =	shalt  }
0x4b: {  	_ =	shalt  }
0x4c: {  	_ =	shalt  }
0x4d: {  	_ =	shalt  }
0x4e: {  	_ =	shalt  }
0x4f: {  	_ =	shalt  }
0x50: {  	_ =	shalt  }
0x51: {  	_ =	shalt  }
0x52: {  	_ =	shalt  }
0x53: {  	_ =	shalt  }
0x54: {  	_ =	shalt  }
0x55: {  	_ =	shalt  }
0x56: {  	_ =	shalt  }
0x57: {  	_ =	shalt  }
0x58: {  	_ =	shalt  }
0x59: {  	_ =	shalt  }
0x5a: {  	_ =	shalt  }
0x5b: {  	_ =	shalt  }
0x5c: {  	_ =	shalt  }
0x5d: {  	_ =	shalt  }
0x5e: {  	_ =	shalt  }
0x5f: {  	_ =	shalt  }
0x60: {  	_ =	shalt  }
0x61: {  	_ =	shalt  }
0x62: {  	_ =	shalt  }
0x63: {  	_ =	shalt  }
0x64: {  	_ =	shalt  }
0x65: {  	_ =	shalt  }
0x66: {  	_ =	shalt  }
0x67: {  	_ =	shalt  }
0x68: {  	_ =	shalt  }
0x69: {  	_ =	shalt  }
0x6a: {  	_ =	shalt  }
0x6b: {  	_ =	shalt  }
0x6c: {  	_ =	shalt  }
0x6d: {  	_ =	shalt  }
0x6e: {  	_ =	shalt  }
0x6f: {  	_ =	shalt  }
0x70: {  	_ =	shalt  }
0x71: {  	_ =	shalt  }
0x72: {  	_ =	shalt  }
0x73: {  	_ =	shalt  }
0x74: {  	_ =	shalt  }
0x75: {  	_ =	shalt  }
0x76: {  	_ =	shalt  }
0x77: {  	_ =	shalt  }
0x78: {  	_ =	shalt  }
0x79: {  	_ =	shalt  }
0x7a: {  	_ =	shalt  }
0x7b: {  	_ =	shalt  }
0x7c: {  	_ =	shalt  }
0x7d: {  	_ =	shalt  }
0x7e: {  	_ =	shalt  }
0x7f: {  	_ =	shalt  }
0x80: {  	_ =	shalt  }
0x81: {  	_ =	shalt  }
0x82: {  	_ =	shalt  }
0x83: {  	_ =	shalt  }
0x84: {  	_ =	shalt  }
0x85: {  	_ =	shalt  }
0x86: {  	_ =	shalt  }
0x87: {  	_ =	shalt  }
.Lfunc_end0:
.L_simem_size_0:
called_computation_lowered:
.L_overlay_start_0:
0x88: {  	s2 =	sld [smem:$0x3FD9]  }
0x89: {  	s3 =	sld [smem:$0x3FFE];
	_ =	sdelay $0x1  }
0x8a: {  	s1 =	srdreg.scid  }
0x8b: {  	s0 =	sand.u32 $0x1, s1  }
0x8c: {  	s18 =	sshll.u32 s0, $0xA;
	s2 =	sadd.s32 s3, s2  }
0x8d: {  	s2 =	sadd.s32 s2, s18  }
0x8e: {  	[smem:$0x3FC6] =	sst s2  }
0x8f: {  	_ = 	snop  }
0x90: {  	s2 =	sld [smem:$0x3FC9]  }
0x91: {  	s19 =	sld [smem:$0x3FC8]  }
0x92: {  	s4 =	sld [smem:$0x3FD0];
	(tm) =	ssettm $0x1  }
0x93: {  	s5 =	sld [smem:$0x3FFB];
	_ =	sdelay $0x3  }
0x94: {  	_ =	strace s5  }
0x95: {  	s5 =	sld [smem:$0x3FFC];
	_ =	sdelay $0x3  }
0x96: {  	_ =	strace s5  }
0x97: {  	s5 =	sld [smem:$0x3FFD];
	_ =	sdelay $0x3  }
0x98: {  	_ =	strace s5  }
0x99: {  	_ =	strace $0x8FFFFFFF  }
0x9a: {  	s20 =	sld [smem:$0x3FDB];
	_ =	sdelay $0x1  }
0x9b: {  	s6 =	simm.s32 $_scs_section_size  }
0x9c: {  	s7 =	simm.s32 $_size__tile_overlayer_lowered;
	s8 =	simm.s32 $_tile_overlayer_lowered  }
0x9d: {  	s23 =	simm.s32 $0x1BFF;
	s22 =	sshll.u32 s8, $0x1;
	s5 =	sadd.s32 s6, s20  }
0x9e: {  	s9 =	simm.s32 $0x0;
	s21 =	sshll.u32 s7, $0x1;
	s7 =	sadd.s32 s22, s5  }
0x9f: {  	[timem:s9], [sflag:s23] =	dma.local [hbm:s7], s21  }
0xa0: {  	_ =	swait.ge [sflag:s23], s21  }
0xa1: {  	s6 =	ssub.s32 $0x0, s21;
	[sflag:s23] =	ssyncset.done $0x0  }
0xa2: {  	[sflag:s23] =	ssyncadd.s32 s6;
	_ =	sdelay $0x1  }
0xa3: {  	s24 =	simm.s32 $0x1B8B  }
0xa4: {  	_ =	swait.ge [sflag:s24], $0x1  }
0xa5: {  	[sflag:s24] =	ssyncset.done $0x0  }
0xa6: {  	s25 =	simm.s32 $0x1B8E;
	[sflag:s24] =	ssyncadd.s32 $0xFFFFFFFF  }
0xa7: {  	s26 =	simm.s32 $execute0_lowered;
	[smem:$0x3FD2] =	sst s25  }
0xa8: {  	s6 =	sshll.u32 s26, $0x1;
	_ =	strace $0x80000046;
	[dreg:$0x1] =	wrdreg $0xFFFFFFFF  }
0xa9: {  	s28 =	simm.s32 $_size_execute0_lowered;
	s5 =	sadd.s32 s5, s6;
	[dreg:$0x0] =	wrdreg $0x0  }
0xaa: {  	s6 =	sshll.u32 s28, $0x1;
	[dreg:$0x2] =	wrdreg s5  }
0xab: {  	[dreg:$0x3] =	wrdreg s6  }
0xac: {  	[dreg:$0x4] =	wrdreg $0xC0  }
0xad: {  	_ =	task [dreg:s9], $0x5FFFF  }
0xae: {  	[dreg:$0x1] =	wrdreg $0xFFFFFFFF  }
0xaf: {  	[dreg:$0x0] =	wrdreg $0x60  }
0xb0: {  	[dreg:$0x2] =	wrdreg s2  }
0xb1: {  	[dreg:$0x3] =	wrdreg s19  }
0xb2: {  	[dreg:$0x4] =	wrdreg s4  }
0xb3: {  	[dreg:$0x5] =	wrdreg $0x9  }
0xb4: {  	_ =	task.clear_ibuf [dreg:s9], $0x6FFFF;
	_ =	strace $0x90000046  }
0xb5: {  	s29 =	simm.s32 $0x9;
	_ =	strace $0x80000048  }
0xb6: {  	_ =	swait.ge [sflag:s29], $0x1  }
0xb7: {  	[sflag:s29] =	ssyncadd.s32 $0xFFFFFFFF  }
0xb8: {  	_ =	strace $0x90000048  }
0xb9: {  	_ =	sfence  }
0xba: {  	s30 =	sld [smem:$0x0];
	_ =	sdelay $0x2  }
0xbb: {  	s31 =	sshll.u32 s1, $0xD;
	s1 =	sshrl.u32 s1, $0x2  }
0xbc: {  	s3 =	sand.u32 $0x4000, s31;
	s1 =	sadd.s32 s1, s30  }
0xbd: {  	s0 =	sor.u32 s3, s0;
	s1 =	sshll.u32 s1, $0x11  }
0xbe: {  	s0 =	sor.u32 s1, s0  }
0xbf: {  	s0 =	sadd.s32 $0x8F2B, s0  }
0xc0: {  	[sflag:s0] =	ssyncadd.remote.s32 $0x1  }
0xc1: {  	_ =	sfence.sel $0xFFFF  }
0xc2: {  	[dreg:$0x0] =	wrdreg $0xFFFFFFFF;
	(pc) =	sbr.abs _section_cstart, $3  }
0xc3: {  	[dreg:$0x1] =	wrdreg $0xFFFFFFFF  }
0xc4: {  	_ =	task.clear_ibuf [dreg:s9], $0x2FFFF;
	_ =	strace $0x9FFFFFFF  }
0xc5: {  	(tm) =	ssettm $0x7FFFFFFF  }
tec
execute0_lowered:
.L_overlay_start_1:
0x0: {  	(tag) =	ssettag $0x1  }
0x1: {  	s0 =	rddreg [dreg:$0x0]  }
0x2: {  	s1 =	rddreg [dreg:$0x1]  }
0x3: {  	s2 =	rddreg [dreg:$0x2];
	s3 =	srdreg.scid;
	s6 =	simm.s32 $0x0  }
0x4: {  	s5 =	stileid.u32;
	s7 =	simm.s32 $0x2;
	s8 =	simm.s32 $0x1  }
0x5: {  	s9 =	simm.s32 $0x400;
	s10 =	simm.s32 $0x7A1400;
	s11 =	simm.s32 $0x200  }
0x6: {  	s12 =	simm.s32 $0x1200;
	s13 =	simm.s32 $0x2200;
	s14 =	simm.s32 $0x3200  }
0x7: {  	s15 =	simm.s32 $0x4200;
	s16 =	simm.s32 $0x5200;
	s17 =	simm.s32 $0x6200  }
0x8: {  	s18 =	simm.s32 $0x7200;
	s19 =	simm.s32 $0x8200;
	s20 =	simm.s32 $0x9200  }
0x9: {  	s21 =	simm.s32 $0xA200;
	s22 =	simm.s32 $0xB200;
	s23 =	simm.s32 $0xC200  }
0xa: {  	s24 =	simm.s32 $0xD200;
	s25 =	simm.s32 $0xE200;
	s3 =	sand.u32 $0x1, s3  }
0xb: {  	s5 =	sshll.u32 s5, $0xA;
	s4 =	ssub.s32 $0x2, s3;
	s3 =	sshll.u32 s3, $0x9  }
0xc: {  	s26 =	simm.s32 $0xF200;
	s31 =	simm.s32 $0x0;
	s3 =	sor.u32 s3, s5  }
0xd: {  	[smem:$0x7FF] =	sst s6;
	s29 =	sshrl.u32 s4, $0x1;
	s30 =	sshrl.u32 s3, $0x3  }
0xe: {  	v0 =	vlaneseq.u32;
	_ =	strace $0x80000047;
	s6 =	ssub.s32 s4, s29;
	s0 =	sadd.s32 s0, s30  }
0xf: {  	v0 =	vmul.u32 $0x1000, v0;
	s5 =	sadd.s32 s2, s3;
	s6 =	smax.u32 s6, $0x1;
	[dreg:$0x4] =	wrdreg s0  }
.LBB2_1:
0x10: {  	s0 =	simm.s32 $0x0;
	s2 =	rddreg [dreg:$0x4]  }
0x11: {  	[tilespmem:s0], [sflag:$0x2] =	stream.linear.gather [hbm4b:s2+s0], $0x200, $0x38;
	[tilespmem:$0x14200] =	vst v63  }
0x12: {  	_ =	swait.ge [sflag:s7], $0x200  }
0x13: {  	s3 =	simm.s32 $0x0;
	[sflag:s7] =	ssyncset.done $0x0  }
0x14: {  	s0 =	simm.s32 $0x0;
	s2 =	simm.s32 $0x0;
	[sflag:s7] =	ssyncadd.s32 $0xFFFFFE00  }
.LBB2_2:
0x15: {  	s28 =	sshll.u32 s3, $0x4  }
0x16: {  	v1 =	vld [tilespmem:s28+$0x0];
	_ =	sdelay $0x4  }
0x17: {  	(v2sf) =	vpush v1, $0x0;
	_ =	sdelay $0xa  }
0x18: {  	(v2sf) =	vpush v1, $0x1;
	_ =	sdelay $0x3  }
0x19: {  	s29 =	spop (v2sf)  }
0x1a: {  	s30 =	sand.u32 $0x7F, s29  }
0x1b: {  	p1 =	slt.s32 s29, $0x1;
	p0 =	sne.s32 s30, $0x0;
	s30 =	sshra.s32 s29, $0x1F  }
0x1c: {  	s30 =	sshrl.u32 s30, $0x19;
	p0 =	por !p1, !p0  }
0x1d: {  	s29 =	sadd.s32 s30, s29;
	p0 =	por !p0, !p0;
	s30 =	simm.s32 $0x1  }
0x1e: {  	s29 =	sshrl.u32 s29, $0x7;
	s30 =	simm.s32 @!p0 $0x0  }
0x1f: {  	s29 =	ssub.s32 s29, s30  }
0x20: {  	(v2sf) =	vpush v1, $0x2;
	s29 =	sshll.u32 s29, $0x7  }
0x21: {  	s29 =	sand.u32 $0x1FFFFF80, s29  }
0x22: {  	s29 =	sadd.s32 s1, s29  }
0x23: {  	[tilespmem:s11], [sflag:$0x1] =	stream.strided.gather [hbm4b:s29+s9], $0x1000, s10, s9, $0x38;
	[tilespmem:$0x14200] =	vst v63  }
0x24: {  	s29 =	spop (v2sf)  }
0x25: {  	s30 =	sand.u32 $0x7F, s29  }
0x26: {  	p2 =	slt.s32 s29, $0x1;
	p1 =	sne.s32 s30, $0x0;
	s30 =	sshra.s32 s29, $0x1F  }
0x27: {  	s30 =	sshrl.u32 s30, $0x19;
	p0 =	por !p2, !p1  }
0x28: {  	s29 =	sadd.s32 s30, s29;
	p0 =	por !p0, !p0;
	s30 =	simm.s32 $0x1  }
0x29: {  	s29 =	sshrl.u32 s29, $0x7;
	s30 =	simm.s32 @!p0 $0x0  }
0x2a: {  	s29 =	ssub.s32 s29, s30  }
0x2b: {  	(v2sf) =	vpush v1, $0x3;
	s29 =	sshll.u32 s29, $0x7  }
0x2c: {  	s29 =	sand.u32 $0x1FFFFF80, s29  }
0x2d: {  	s29 =	sadd.s32 s1, s29  }
0x2e: {  	[tilespmem:s12], [sflag:$0x1] =	stream.strided.gather [hbm4b:s29+s9], $0x1000, s10, s9, $0x38;
	[tilespmem:$0x14200] =	vst v63  }
0x2f: {  	s29 =	spop (v2sf)  }
0x30: {  	s30 =	sand.u32 $0x7F, s29  }
0x31: {  	p4 =	slt.s32 s29, $0x1;
	p3 =	sne.s32 s30, $0x0;
	s30 =	sshra.s32 s29, $0x1F  }
0x32: {  	s30 =	sshrl.u32 s30, $0x19;
	p0 =	por !p4, !p3  }
0x33: {  	s29 =	sadd.s32 s30, s29;
	p0 =	por !p0, !p0;
	s30 =	simm.s32 $0x1  }
0x34: {  	s29 =	sshrl.u32 s29, $0x7;
	s30 =	simm.s32 @!p0 $0x0  }
0x35: {  	s29 =	ssub.s32 s29, s30  }
0x36: {  	(v2sf) =	vpush v1, $0x4;
	s29 =	sshll.u32 s29, $0x7  }
0x37: {  	s29 =	sand.u32 $0x1FFFFF80, s29  }
0x38: {  	s29 =	sadd.s32 s1, s29  }
0x39: {  	[tilespmem:s13], [sflag:$0x1] =	stream.strided.gather [hbm4b:s29+s9], $0x1000, s10, s9, $0x38;
	[tilespmem:$0x14200] =	vst v63  }
0x3a: {  	s29 =	spop (v2sf)  }
0x3b: {  	s30 =	sand.u32 $0x7F, s29  }
0x3c: {  	p6 =	slt.s32 s29, $0x1;
	p5 =	sne.s32 s30, $0x0;
	s30 =	sshra.s32 s29, $0x1F  }
0x3d: {  	s30 =	sshrl.u32 s30, $0x19;
	p0 =	por !p6, !p5  }
0x3e: {  	s29 =	sadd.s32 s30, s29;
	p0 =	por !p0, !p0;
	s30 =	simm.s32 $0x1  }
0x3f: {  	s29 =	sshrl.u32 s29, $0x7;
	s30 =	simm.s32 @!p0 $0x0  }
0x40: {  	s29 =	ssub.s32 s29, s30  }
0x41: {  	(v2sf) =	vpush v1, $0x5;
	s29 =	sshll.u32 s29, $0x7  }
0x42: {  	s29 =	sand.u32 $0x1FFFFF80, s29  }
0x43: {  	s29 =	sadd.s32 s1, s29  }
0x44: {  	[tilespmem:s14], [sflag:$0x1] =	stream.strided.gather [hbm4b:s29+s9], $0x1000, s10, s9, $0x38;
	[tilespmem:$0x14200] =	vst v63  }
0x45: {  	s29 =	spop (v2sf)  }
0x46: {  	s30 =	sand.u32 $0x7F, s29  }
0x47: {  	p2 =	slt.s32 s29, $0x1;
	p1 =	sne.s32 s30, $0x0;
	s30 =	sshra.s32 s29, $0x1F  }
0x48: {  	s30 =	sshrl.u32 s30, $0x19;
	p0 =	por !p2, !p1  }
0x49: {  	s29 =	sadd.s32 s30, s29;
	p0 =	por !p0, !p0;
	s30 =	simm.s32 $0x1  }
0x4a: {  	s29 =	sshrl.u32 s29, $0x7;
	s30 =	simm.s32 @!p0 $0x0  }
0x4b: {  	s29 =	ssub.s32 s29, s30  }
0x4c: {  	(v2sf) =	vpush v1, $0x6;
	s29 =	sshll.u32 s29, $0x7  }
0x4d: {  	s29 =	sand.u32 $0x1FFFFF80, s29  }
0x4e: {  	s29 =	sadd.s32 s1, s29  }
0x4f: {  	[tilespmem:s15], [sflag:$0x1] =	stream.strided.gather [hbm4b:s29+s9], $0x1000, s10, s9, $0x38;
	[tilespmem:$0x14200] =	vst v63  }
0x50: {  	s29 =	spop (v2sf)  }
0x51: {  	s30 =	sand.u32 $0x7F, s29  }
0x52: {  	p4 =	slt.s32 s29, $0x1;
	p3 =	sne.s32 s30, $0x0;
	s30 =	sshra.s32 s29, $0x1F  }
0x53: {  	s30 =	sshrl.u32 s30, $0x19;
	p0 =	por !p4, !p3  }
0x54: {  	s29 =	sadd.s32 s30, s29;
	p0 =	por !p0, !p0;
	s30 =	simm.s32 $0x1  }
0x55: {  	s29 =	sshrl.u32 s29, $0x7;
	s30 =	simm.s32 @!p0 $0x0  }
0x56: {  	s29 =	ssub.s32 s29, s30  }
0x57: {  	(v2sf) =	vpush v1, $0x7;
	s29 =	sshll.u32 s29, $0x7  }
0x58: {  	s29 =	sand.u32 $0x1FFFFF80, s29  }
0x59: {  	s29 =	sadd.s32 s1, s29  }
0x5a: {  	[tilespmem:s16], [sflag:$0x1] =	stream.strided.gather [hbm4b:s29+s9], $0x1000, s10, s9, $0x38;
	[tilespmem:$0x14200] =	vst v63  }
0x5b: {  	s29 =	spop (v2sf)  }
0x5c: {  	s30 =	sand.u32 $0x7F, s29  }
0x5d: {  	p6 =	slt.s32 s29, $0x1;
	p5 =	sne.s32 s30, $0x0;
	s30 =	sshra.s32 s29, $0x1F  }
0x5e: {  	s30 =	sshrl.u32 s30, $0x19;
	p0 =	por !p6, !p5  }
0x5f: {  	s29 =	sadd.s32 s30, s29;
	p0 =	por !p0, !p0;
	s30 =	simm.s32 $0x1  }
0x60: {  	s29 =	sshrl.u32 s29, $0x7;
	s30 =	simm.s32 @!p0 $0x0  }
0x61: {  	s29 =	ssub.s32 s29, s30  }
0x62: {  	(v2sf) =	vpush v1, $0x8;
	s29 =	sshll.u32 s29, $0x7  }
0x63: {  	s29 =	sand.u32 $0x1FFFFF80, s29  }
0x64: {  	s29 =	sadd.s32 s1, s29  }
0x65: {  	[tilespmem:s17], [sflag:$0x1] =	stream.strided.gather [hbm4b:s29+s9], $0x1000, s10, s9, $0x38;
	[tilespmem:$0x14200] =	vst v63  }
0x66: {  	s29 =	spop (v2sf)  }
0x67: {  	s30 =	sand.u32 $0x7F, s29  }
0x68: {  	p2 =	slt.s32 s29, $0x1;
	p1 =	sne.s32 s30, $0x0;
	s30 =	sshra.s32 s29, $0x1F  }
0x69: {  	s30 =	sshrl.u32 s30, $0x19;
	p0 =	por !p2, !p1  }
0x6a: {  	s29 =	sadd.s32 s30, s29;
	p0 =	por !p0, !p0;
	s30 =	simm.s32 $0x1  }
0x6b: {  	s29 =	sshrl.u32 s29, $0x7;
	s30 =	simm.s32 @!p0 $0x0  }
0x6c: {  	s29 =	ssub.s32 s29, s30  }
0x6d: {  	(v2sf) =	vpush v1, $0x9;
	s29 =	sshll.u32 s29, $0x7  }
0x6e: {  	s29 =	sand.u32 $0x1FFFFF80, s29  }
0x6f: {  	s29 =	sadd.s32 s1, s29  }
0x70: {  	[tilespmem:s18], [sflag:$0x1] =	stream.strided.gather [hbm4b:s29+s9], $0x1000, s10, s9, $0x38;
	[tilespmem:$0x14200] =	vst v63  }
0x71: {  	s29 =	spop (v2sf)  }
0x72: {  	s30 =	sand.u32 $0x7F, s29  }
0x73: {  	p4 =	slt.s32 s29, $0x1;
	p3 =	sne.s32 s30, $0x0;
	s30 =	sshra.s32 s29, $0x1F  }
0x74: {  	s30 =	sshrl.u32 s30, $0x19;
	p0 =	por !p4, !p3  }
0x75: {  	s29 =	sadd.s32 s30, s29;
	p0 =	por !p0, !p0;
	s30 =	simm.s32 $0x1  }
0x76: {  	s29 =	sshrl.u32 s29, $0x7;
	s30 =	simm.s32 @!p0 $0x0  }
0x77: {  	s29 =	ssub.s32 s29, s30  }
0x78: {  	(v2sf) =	vpush v1, $0xA;
	s29 =	sshll.u32 s29, $0x7  }
0x79: {  	s29 =	sand.u32 $0x1FFFFF80, s29  }
0x7a: {  	s29 =	sadd.s32 s1, s29  }
0x7b: {  	[tilespmem:s19], [sflag:$0x1] =	stream.strided.gather [hbm4b:s29+s9], $0x1000, s10, s9, $0x38;
	[tilespmem:$0x14200] =	vst v63  }
0x7c: {  	s29 =	spop (v2sf)  }
0x7d: {  	s30 =	sand.u32 $0x7F, s29  }
0x7e: {  	p6 =	slt.s32 s29, $0x1;
	p5 =	sne.s32 s30, $0x0;
	s30 =	sshra.s32 s29, $0x1F  }
0x7f: {  	s30 =	sshrl.u32 s30, $0x19;
	p0 =	por !p6, !p5  }
0x80: {  	s29 =	sadd.s32 s30, s29;
	p0 =	por !p0, !p0;
	s30 =	simm.s32 $0x1  }
0x81: {  	s29 =	sshrl.u32 s29, $0x7;
	s30 =	simm.s32 @!p0 $0x0  }
0x82: {  	s29 =	ssub.s32 s29, s30  }
0x83: {  	(v2sf) =	vpush v1, $0xB;
	s29 =	sshll.u32 s29, $0x7  }
0x84: {  	s29 =	sand.u32 $0x1FFFFF80, s29  }
0x85: {  	s29 =	sadd.s32 s1, s29  }
0x86: {  	[tilespmem:s20], [sflag:$0x1] =	stream.strided.gather [hbm4b:s29+s9], $0x1000, s10, s9, $0x38;
	[tilespmem:$0x14200] =	vst v63  }
0x87: {  	s29 =	spop (v2sf)  }
0x88: {  	s30 =	sand.u32 $0x7F, s29  }
0x89: {  	p2 =	slt.s32 s29, $0x1;
	p1 =	sne.s32 s30, $0x0;
	s30 =	sshra.s32 s29, $0x1F  }
0x8a: {  	s30 =	sshrl.u32 s30, $0x19;
	p0 =	por !p2, !p1  }
0x8b: {  	s29 =	sadd.s32 s30, s29;
	p0 =	por !p0, !p0;
	s30 =	simm.s32 $0x1  }
0x8c: {  	s29 =	sshrl.u32 s29, $0x7;
	s30 =	simm.s32 @!p0 $0x0  }
0x8d: {  	s29 =	ssub.s32 s29, s30  }
0x8e: {  	(v2sf) =	vpush v1, $0xC;
	s29 =	sshll.u32 s29, $0x7  }
0x8f: {  	s29 =	sand.u32 $0x1FFFFF80, s29  }
0x90: {  	s29 =	sadd.s32 s1, s29  }
0x91: {  	[tilespmem:s21], [sflag:$0x1] =	stream.strided.gather [hbm4b:s29+s9], $0x1000, s10, s9, $0x38;
	[tilespmem:$0x14200] =	vst v63  }
0x92: {  	s29 =	spop (v2sf)  }
0x93: {  	s30 =	sand.u32 $0x7F, s29  }
0x94: {  	p4 =	slt.s32 s29, $0x1;
	p3 =	sne.s32 s30, $0x0;
	s30 =	sshra.s32 s29, $0x1F  }
0x95: {  	s30 =	sshrl.u32 s30, $0x19;
	p0 =	por !p4, !p3  }
0x96: {  	s29 =	sadd.s32 s30, s29;
	p0 =	por !p0, !p0;
	s30 =	simm.s32 $0x1  }
0x97: {  	s29 =	sshrl.u32 s29, $0x7;
	s30 =	simm.s32 @!p0 $0x0  }
0x98: {  	s29 =	ssub.s32 s29, s30  }
0x99: {  	(v2sf) =	vpush v1, $0xD;
	s29 =	sshll.u32 s29, $0x7  }
0x9a: {  	s29 =	sand.u32 $0x1FFFFF80, s29  }
0x9b: {  	s29 =	sadd.s32 s1, s29  }
0x9c: {  	[tilespmem:s22], [sflag:$0x1] =	stream.strided.gather [hbm4b:s29+s9], $0x1000, s10, s9, $0x38;
	[tilespmem:$0x14200] =	vst v63  }
0x9d: {  	s29 =	spop (v2sf)  }
0x9e: {  	s30 =	sand.u32 $0x7F, s29  }
0x9f: {  	p6 =	slt.s32 s29, $0x1;
	p5 =	sne.s32 s30, $0x0;
	s30 =	sshra.s32 s29, $0x1F  }
0xa0: {  	s30 =	sshrl.u32 s30, $0x19;
	p0 =	por !p6, !p5  }
0xa1: {  	s29 =	sadd.s32 s30, s29;
	p0 =	por !p0, !p0;
	s30 =	simm.s32 $0x1  }
0xa2: {  	(v2sf) =	vpush v1, $0xE;
	s29 =	sshrl.u32 s29, $0x7;
	s30 =	simm.s32 @!p0 $0x0  }
0xa3: {  	s29 =	ssub.s32 s29, s30  }
0xa4: {  	s29 =	sshll.u32 s29, $0x7  }
0xa5: {  	s29 =	sand.u32 $0x1FFFFF80, s29  }
0xa6: {  	s29 =	sadd.s32 s1, s29  }
0xa7: {  	[tilespmem:s23], [sflag:$0x1] =	stream.strided.gather [hbm4b:s29+s9], $0x1000, s10, s9, $0x38;
	[tilespmem:$0x14200] =	vst v63  }
0xa8: {  	s29 =	spop (v2sf)  }
0xa9: {  	s30 =	sand.u32 $0x7F, s29  }
0xaa: {  	p2 =	slt.s32 s29, $0x1;
	p1 =	sne.s32 s30, $0x0;
	s30 =	sshra.s32 s29, $0x1F  }
0xab: {  	s30 =	sshrl.u32 s30, $0x19;
	p0 =	por !p2, !p1  }
0xac: {  	s29 =	sadd.s32 s30, s29;
	p0 =	por !p0, !p0;
	s30 =	simm.s32 $0x1  }
0xad: {  	s29 =	sshrl.u32 s29, $0x7;
	s30 =	simm.s32 @!p0 $0x0  }
0xae: {  	(v2sf) =	vpush v1, $0xF;
	s29 =	ssub.s32 s29, s30  }
0xaf: {  	s29 =	sshll.u32 s29, $0x7  }
0xb0: {  	s29 =	sand.u32 $0x1FFFFF80, s29  }
0xb1: {  	s30 =	spop (v2sf);
	s29 =	sadd.s32 s1, s29  }
0xb2: {  	[tilespmem:s24], [sflag:$0x1] =	stream.strided.gather [hbm4b:s29+s9], $0x1000, s10, s9, $0x38;
	[tilespmem:$0x14200] =	vst v63  }
0xb3: {  	s29 =	sand.u32 $0x7F, s30  }
0xb4: {  	p4 =	slt.s32 s30, $0x1;
	p3 =	sne.s32 s29, $0x0;
	s29 =	sshra.s32 s30, $0x1F  }
0xb5: {  	s29 =	sshrl.u32 s29, $0x19;
	p0 =	por !p4, !p3  }
0xb6: {  	s29 =	sadd.s32 s29, s30;
	p0 =	por !p0, !p0;
	s30 =	simm.s32 $0x1  }
0xb7: {  	s29 =	sshrl.u32 s29, $0x7;
	s30 =	simm.s32 @!p0 $0x0  }
0xb8: {  	s29 =	ssub.s32 s29, s30  }
0xb9: {  	s29 =	sshll.u32 s29, $0x7  }
0xba: {  	s29 =	sand.u32 $0x1FFFFF80, s29  }
0xbb: {  	s29 =	sadd.s32 s1, s29  }
0xbc: {  	[tilespmem:s25], [sflag:$0x1] =	stream.strided.gather [hbm4b:s29+s9], $0x1000, s10, s9, $0x38;
	[tilespmem:$0x14200] =	vst v63  }
0xbd: {  	s29 =	spop (v2sf)  }
0xbe: {  	s30 =	sand.u32 $0x7F, s29  }
0xbf: {  	p6 =	slt.s32 s29, $0x1;
	p5 =	sne.s32 s30, $0x0;
	s30 =	sshra.s32 s29, $0x1F  }
0xc0: {  	s30 =	sshrl.u32 s30, $0x19;
	p0 =	por !p6, !p5  }
0xc1: {  	s29 =	sadd.s32 s30, s29;
	p0 =	por !p0, !p0;
	s30 =	simm.s32 $0x1  }
0xc2: {  	s29 =	sshrl.u32 s29, $0x7;
	s30 =	simm.s32 @!p0 $0x0  }
0xc3: {  	s29 =	ssub.s32 s29, s30  }
0xc4: {  	s29 =	sshll.u32 s29, $0x7  }
0xc5: {  	s29 =	sand.u32 $0x1FFFFF80, s29  }
0xc6: {  	s29 =	sadd.s32 s1, s29  }
0xc7: {  	[tilespmem:s26], [sflag:$0x1] =	stream.strided.gather [hbm4b:s29+s9], $0x1000, s10, s9, $0x38;
	[tilespmem:$0x14200] =	vst v63  }
0xc8: {  	_ =	swait.ge [sflag:s8], $0x1000  }
0xc9: {  	[sflag:s8] =	ssyncset.done $0x0  }
0xca: {  	[sflag:s8] =	ssyncadd.s32 $0xFFFFF000  }
0xcb: {  	_ =	swait.ge [sflag:s8], $0x1000  }
0xcc: {  	[sflag:s8] =	ssyncset.done $0x0  }
0xcd: {  	[sflag:s8] =	ssyncadd.s32 $0xFFFFF000  }
0xce: {  	_ =	swait.ge [sflag:s8], $0x1000  }
0xcf: {  	[sflag:s8] =	ssyncset.done $0x0  }
0xd0: {  	[sflag:s8] =	ssyncadd.s32 $0xFFFFF000  }
0xd1: {  	_ =	swait.ge [sflag:s8], $0x1000  }
0xd2: {  	[sflag:s8] =	ssyncset.done $0x0  }
0xd3: {  	[sflag:s8] =	ssyncadd.s32 $0xFFFFF000  }
0xd4: {  	_ =	swait.ge [sflag:s8], $0x1000  }
0xd5: {  	[sflag:s8] =	ssyncset.done $0x0  }
0xd6: {  	[sflag:s8] =	ssyncadd.s32 $0xFFFFF000  }
0xd7: {  	_ =	swait.ge [sflag:s8], $0x1000  }
0xd8: {  	[sflag:s8] =	ssyncset.done $0x0  }
0xd9: {  	[sflag:s8] =	ssyncadd.s32 $0xFFFFF000  }
0xda: {  	_ =	swait.ge [sflag:s8], $0x1000  }
0xdb: {  	[sflag:s8] =	ssyncset.done $0x0  }
0xdc: {  	[sflag:s8] =	ssyncadd.s32 $0xFFFFF000  }
0xdd: {  	_ =	swait.ge [sflag:s8], $0x1000  }
0xde: {  	[sflag:s8] =	ssyncset.done $0x0  }
0xdf: {  	[sflag:s8] =	ssyncadd.s32 $0xFFFFF000  }
0xe0: {  	_ =	swait.ge [sflag:s8], $0x1000  }
0xe1: {  	[sflag:s8] =	ssyncset.done $0x0  }
0xe2: {  	[sflag:s8] =	ssyncadd.s32 $0xFFFFF000  }
0xe3: {  	_ =	swait.ge [sflag:s8], $0x1000  }
0xe4: {  	[sflag:s8] =	ssyncset.done $0x0  }
0xe5: {  	[sflag:s8] =	ssyncadd.s32 $0xFFFFF000  }
0xe6: {  	_ =	swait.ge [sflag:s8], $0x1000  }
0xe7: {  	[sflag:s8] =	ssyncset.done $0x0  }
0xe8: {  	[sflag:s8] =	ssyncadd.s32 $0xFFFFF000  }
0xe9: {  	_ =	swait.ge [sflag:s8], $0x1000  }
0xea: {  	[sflag:s8] =	ssyncset.done $0x0  }
0xeb: {  	[sflag:s8] =	ssyncadd.s32 $0xFFFFF000  }
0xec: {  	_ =	swait.ge [sflag:s8], $0x1000  }
0xed: {  	[sflag:s8] =	ssyncset.done $0x0  }
0xee: {  	[sflag:s8] =	ssyncadd.s32 $0xFFFFF000  }
0xef: {  	_ =	swait.ge [sflag:s8], $0x1000  }
0xf0: {  	[sflag:s8] =	ssyncset.done $0x0  }
0xf1: {  	[sflag:s8] =	ssyncadd.s32 $0xFFFFF000  }
0xf2: {  	_ =	swait.ge [sflag:s8], $0x1000  }
0xf3: {  	[sflag:s8] =	ssyncset.done $0x0  }
0xf4: {  	[sflag:s8] =	ssyncadd.s32 $0xFFFFF000  }
0xf5: {  	_ =	swait.ge [sflag:s8], $0x1000  }
0xf6: {  	[sflag:s8] =	ssyncset.done $0x0  }
0xf7: {  	[sflag:s8] =	ssyncadd.s32 $0xFFFFF000  }
0xf8: {  	v1 =	vld [tilespmem:s28+$0x0];
	_ =	sdelay $0x4  }
0xf9: {  	v2 =	vshra.s32 v1, $0x1F  }
0xfa: {  	v2 =	vshrl.u32 v2, $0x19  }
0xfb: {  	v2 =	vadd.s32 v2, v1  }
0xfc: {  	v2 =	vshrl.u32 v2, $0x7  }
0xfd: {  	v2 =	vshll.u32 v2, $0x7  }
0xfe: {  	v1 =	vsub.s32 v1, v2  }
0xff: {  	s28 =	simm.s32 $0x0;
	v1 =	vadd.s32 v0, v1  }
0x100: {  	v2 =	vadd.s32 s28, v1;
	_ =	sdelay $0x4  }
0x101: {  	s30 =	simm.s32 $0x80;
	s29 =	sand.u32 $0x7, s0;
	s28 =	sshll.u32 s2, $0x2;
	v2 =	vld.idx.msk [tilespmem:v2+s11+$0x0], $0xffff  }
0x102: {  	s29 =	sshll.u32 s29, $0x6;
	v3 =	vadd.s32 s30, v1;
	s28 =	sand.u32 $0xFFFFF000, s28  }
0x103: {  	s28 =	sor.u32 s29, s28  }
0x104: {  	s28 =	sshrl.u32 s28, $0x2  }
0x105: {  	s28 =	sadd.s32 $0x10400, s28  }
0x106: {  	[tilespmem:s28+$0xFFFFFE00] =	vst v2  }
0x107: {  	s29 =	simm.s32 $0x100;
	v2 =	vld.idx.msk [tilespmem:v3+s11+$0x0], $0xffff  }
0x108: {  	v3 =	vadd.s32 s29, v1;
	_ =	sdelay $0x3  }
0x109: {  	[tilespmem:s28+$0xFFFFFE80] =	vst v2  }
0x10a: {  	s29 =	simm.s32 $0x180;
	v2 =	vld.idx.msk [tilespmem:v3+s11+$0x0], $0xffff  }
0x10b: {  	v3 =	vadd.s32 s29, v1;
	_ =	sdelay $0x3  }
0x10c: {  	[tilespmem:s28+$0xFFFFFF00] =	vst v2  }
0x10d: {  	s29 =	simm.s32 $0x200;
	v2 =	vld.idx.msk [tilespmem:v3+s11+$0x0], $0xffff  }
0x10e: {  	v3 =	vadd.s32 s29, v1;
	_ =	sdelay $0x3  }
0x10f: {  	[tilespmem:s28+$0xFFFFFF80] =	vst v2  }
0x110: {  	s29 =	simm.s32 $0x280;
	v2 =	vld.idx.msk [tilespmem:v3+s11+$0x0], $0xffff  }
0x111: {  	v3 =	vadd.s32 s29, v1;
	_ =	sdelay $0x3  }
0x112: {  	[tilespmem:s28+$0x0] =	vst v2  }
0x113: {  	s29 =	simm.s32 $0x300;
	v2 =	vld.idx.msk [tilespmem:v3+s11+$0x0], $0xffff  }
0x114: {  	v3 =	vadd.s32 s29, v1;
	_ =	sdelay $0x3  }
0x115: {  	[tilespmem:s28+$0x80] =	vst v2  }
0x116: {  	s29 =	simm.s32 $0x380;
	v2 =	vld.idx.msk [tilespmem:v3+s11+$0x0], $0xffff  }
0x117: {  	v3 =	vadd.s32 s29, v1;
	_ =	sdelay $0x3  }
0x118: {  	[tilespmem:s28+$0x100] =	vst v2  }
0x119: {  	s30 =	simm.s32 $0x10;
	s29 =	simm.s32 $0x400;
	v2 =	vld.idx.msk [tilespmem:v3+s11+$0x0], $0xffff  }
.LBB2_3:
0x11a: {  	p0 =	slt.u32 s30, $0x18;
	v3 =	vadd.s32 s29, v1;
	_ =	sdelay $0x3  }
0x11b: {  	[tilespmem:s28+$0x180] =	vst v2  }
0x11c: {  	v2 =	vld.idx.msk [tilespmem:v3+s11+$0x0], $0xffff  }
0x11d: {  	s4 =	sadd.s32 $0x80, s29  }
0x11e: {  	v3 =	vadd.s32 s4, v1;
	_ =	sdelay $0x2  }
0x11f: {  	s28 =	sadd.s32 $0x1000, s28  }
0x120: {  	[tilespmem:s28+$0xFFFFFE00] =	vst v2  }
0x121: {  	v2 =	vld.idx.msk [tilespmem:v3+s11+$0x0], $0xffff  }
0x122: {  	s4 =	sadd.s32 $0x100, s29  }
0x123: {  	v3 =	vadd.s32 s4, v1;
	_ =	sdelay $0x3  }
0x124: {  	[tilespmem:s28+$0xFFFFFE80] =	vst v2  }
0x125: {  	v2 =	vld.idx.msk [tilespmem:v3+s11+$0x0], $0xffff  }
0x126: {  	s4 =	sadd.s32 $0x180, s29  }
0x127: {  	v3 =	vadd.s32 s4, v1;
	_ =	sdelay $0x3  }
0x128: {  	[tilespmem:s28+$0xFFFFFF00] =	vst v2  }
0x129: {  	v2 =	vld.idx.msk [tilespmem:v3+s11+$0x0], $0xffff  }
0x12a: {  	s4 =	sadd.s32 $0x200, s29  }
0x12b: {  	v3 =	vadd.s32 s4, v1;
	_ =	sdelay $0x3  }
0x12c: {  	[tilespmem:s28+$0xFFFFFF80] =	vst v2  }
0x12d: {  	v2 =	vld.idx.msk [tilespmem:v3+s11+$0x0], $0xffff  }
0x12e: {  	s4 =	sadd.s32 $0x280, s29  }
0x12f: {  	v3 =	vadd.s32 s4, v1;
	_ =	sdelay $0x3  }
0x130: {  	[tilespmem:s28+$0x0] =	vst v2  }
0x131: {  	v2 =	vld.idx.msk [tilespmem:v3+s11+$0x0], $0xffff  }
0x132: {  	s4 =	sadd.s32 $0x300, s29  }
0x133: {  	v3 =	vadd.s32 s4, v1;
	_ =	sdelay $0x3  }
0x134: {  	[tilespmem:s28+$0x80] =	vst v2  }
0x135: {  	v2 =	vld.idx.msk [tilespmem:v3+s11+$0x0], $0xffff  }
0x136: {  	s4 =	sadd.s32 $0x380, s29  }
0x137: {  	v3 =	vadd.s32 s4, v1;
	_ =	sdelay $0x1  }
.Ltmp0:
0x138: {  	(pc) =	sbr.rel @p0 .LBB2_3-.Ltmp0, $4  }
0x139: {  	_ = 	snop  }
0x13a: {  	[tilespmem:s28+$0x100] =	vst v2  }
0x13b: {  	v2 =	vld.idx.msk [tilespmem:v3+s11+$0x0], $0xffff  }
0x13c: {  	s29 =	sshll.u32 s30, $0x7;
	s30 =	sadd.s32 $0x8, s30  }
0x13d: {  	v3 =	vadd.s32 s29, v1;
	_ =	sdelay $0x3  }
0x13e: {  	[tilespmem:s28+$0x180] =	vst v2  }
0x13f: {  	s4 =	sadd.s32 $0x80, s29;
	v2 =	vld.idx.msk [tilespmem:v3+s11+$0x0], $0xffff  }
0x140: {  	v3 =	vadd.s32 s4, v1;
	_ =	sdelay $0x2  }
0x141: {  	s4 =	sadd.s32 $0x1000, s28  }
0x142: {  	[tilespmem:s4+$0xFFFFFE00] =	vst v2  }
0x143: {  	s30 =	sadd.s32 $0x100, s29;
	v2 =	vld.idx.msk [tilespmem:v3+s11+$0x0], $0xffff  }
0x144: {  	v3 =	vadd.s32 s30, v1;
	_ =	sdelay $0x3  }
0x145: {  	[tilespmem:s4+$0xFFFFFE80] =	vst v2  }
0x146: {  	s30 =	sadd.s32 $0x180, s29;
	v2 =	vld.idx.msk [tilespmem:v3+s11+$0x0], $0xffff  }
0x147: {  	v3 =	vadd.s32 s30, v1;
	_ =	sdelay $0x3  }
0x148: {  	[tilespmem:s4+$0xFFFFFF00] =	vst v2  }
0x149: {  	s30 =	sadd.s32 $0x200, s29;
	v2 =	vld.idx.msk [tilespmem:v3+s11+$0x0], $0xffff  }
0x14a: {  	v3 =	vadd.s32 s30, v1;
	_ =	sdelay $0x3  }
0x14b: {  	[tilespmem:s4+$0xFFFFFF80] =	vst v2  }
0x14c: {  	s30 =	sadd.s32 $0x280, s29;
	v2 =	vld.idx.msk [tilespmem:v3+s11+$0x0], $0xffff  }
0x14d: {  	v3 =	vadd.s32 s30, v1;
	_ =	sdelay $0x3  }
0x14e: {  	[tilespmem:s4+$0x0] =	vst v2  }
0x14f: {  	s30 =	sadd.s32 $0x300, s29;
	v2 =	vld.idx.msk [tilespmem:v3+s11+$0x0], $0xffff  }
0x150: {  	v3 =	vadd.s32 s30, v1;
	_ =	sdelay $0x3  }
0x151: {  	[tilespmem:s4+$0x80] =	vst v2  }
0x152: {  	s30 =	sadd.s32 $0x380, s29;
	v2 =	vld.idx.msk [tilespmem:v3+s11+$0x0], $0xffff  }
0x153: {  	v1 =	vadd.s32 s30, v1;
	_ =	sdelay $0x3  }
0x154: {  	s3 =	sadd.s32 $0x1, s3;
	[tilespmem:s4+$0x100] =	vst v2  }
0x155: {  	p0 =	sne.s32 s3, $0x20;
	v1 =	vld.idx.msk [tilespmem:v1+s11+$0x0], $0xffff  }
.Ltmp1:
0x156: {  	_ = 	snop;
	(pc) =	sbr.rel @p0 .LBB2_2-.Ltmp1, $2  }
0x157: {  	_ =	sdelay $0x2  }
0x158: {  	s2 =	sadd.s32 $0x80, s2;
	s0 =	sadd.s32 $0x1, s0;
	[tilespmem:s4+$0x180] =	vst v1  }
0x159: {  	s31 =	sadd.s32 $0x1, s31  }
0x15a: {  	s0 =	simm.s32 $0x1000;
	p0 =	sne.s32 s31, s6  }
.Ltmp2:
0x15b: {  	s2 =	simm.s32 $0x20000;
	s3 =	simm.s32 $0x10200;
	(pc) =	sbr.rel @p0 .LBB2_1-.Ltmp2, $4  }
0x15c: {  	[hbm4b:s5+s0] =	stream.strided.scatter [tilespmem:s3], [sflag:$0x2], $0x4000, s2, s0, $0x38;
	[tilespmem:$0x14200] =	vst v63  }
0x15d: {  	_ =	swait.ge [sflag:s7], $0x4000  }
0x15e: {  	[sflag:s7] =	ssyncset.done $0x0  }
0x15f: {  	[sflag:s7] =	ssyncadd.s32 $0xFFFFC000  }
0x160: {  	_ =	sfence.sel $0x180000  }
0x161: {  	[bflag:$0x0] =	sbarrier.arrive $0xFFFF  }
0x162: {  	_ =	strace $0x90000047  }
0x163: {  	s0 =	stileid.u32;
	[bflag:$0x2] =	sbarrier.arrive $0xFFFF  }
0x164: {  	p0 =	sne.s32 s0, $0x0;
	s0 =	rddreg [dreg:$0x3]  }
0x165: {  	s0 =	sadd.s32 @!p0 $0x100000, s0  }
0x166: {  	[sflag:s0] =	ssyncadd.tile.s32 @!p0 $0x1;
	_ =	shalt  }
.Lfunc_end2:
_tile_overlayer_lowered:
.L_overlay_start_2:
0x167: {  	(tag) =	ssettag $0x2  }
0x168: {  	s0 =	rddreg [dreg:$0x0];
	s2 =	stileid.u32  }
0x169: {  	s1 =	rddreg [dreg:$0x1];
	p0 =	sne.s32 s2, $0x0  }
0x16a: {  	s3 =	rddreg [dreg:$0x2];
	[bflag:$0x3] =	sbarrier.arrive $0xFFFF;
	s2 =	simm.s32 @!p0 $0x1C02  }
0x16b: {  	[timem:s3], [sflag:s2] =	dma.local @!p0 [hbm:s0], s1  }
0x16c: {  	s0 =	simm.s32 @!p0 $0x2  }
0x16d: {  	_ =	swait.ge @!p0 [sflag:s0], s1  }
0x16e: {  	s1 =	ssub.s32 @!p0 $0x0, s1;
	[sflag:s0] =	ssyncset.done @!p0 $0x0  }
0x16f: {  	[sflag:s0] =	ssyncadd.s32 @!p0 s1  }
0x170: {  	[bflag:$0x3] =	sbarrier.arrive $0xFFFF  }
0x171: {  	_ =	shalt  }

</sc_bundles>
